<compile_context>
chip_gen: v7x
topology: tpu7x:2x2x1
jax: 0.10.2.dev20260603
libtpu: 0.0.44.dev20260713+nightly
codegen_flags: <defaults>
</compile_context>

<pallas_src>
import functools

import jax
import jax.numpy as jnp
from jax import lax
from jax.experimental import pallas as pl
from jax.experimental.pallas import tpu as pltpu
from jax.experimental.pallas import tpu_sc as plsc

B0, B1 = 4096, 50
D = 64
CHUNK = 128
NC, NS = 2, 16
NW = NC * NS
S_STRIDE = 136

_mesh = plsc.VectorSubcoreMesh(core_axis_name="c", subcore_axis_name="s")


@functools.partial(
    pl.kernel,
    mesh=_mesh,
    out_type=jax.ShapeDtypeStruct((B1, 8, NW, 8, CHUNK), jnp.float32),
    scratch_types=[
        pltpu.VMEM((B1, CHUNK), jnp.int32),
        pltpu.VMEM((CHUNK, D), jnp.float32),
        pltpu.VMEM((CHUNK, D), jnp.float32),
        pltpu.VMEM((D, S_STRIDE), jnp.float32),
        pltpu.VMEM((D, S_STRIDE), jnp.float32),
        pltpu.SemaphoreType.DMA,
        pltpu.SemaphoreType.DMA,
        pltpu.SemaphoreType.DMA,
        pltpu.SemaphoreType.DMA,
    ],
    compiler_params=pltpu.CompilerParams(use_tc_tiling_on_sc=False, needs_layout_passes=False),
)
def _gather_kernel(idx_hbm, table_hbm, out_hbm, idx_v, rows0, rows1,
                   stage0, stage1, gsem0, gsem1, osem0, osem1):
    w = lax.axis_index("s") * NC + lax.axis_index("c")
    pltpu.sync_copy(idx_hbm.at[w], idx_v)

    rows = (rows0, rows1)
    stage = (stage0, stage1)
    gsem = (gsem0, gsem1)
    osem = (osem0, osem1)

    iota = lax.broadcasted_iota(jnp.int32, (16,), 0)
    d_idx = [iota + (q * 16) for q in range(4)]

    def fire_gather(s, p):
        pltpu.async_copy(table_hbm.at[idx_v.at[s]], rows[p], gsem[p])

    def wait_gather(p):
        pltpu.make_async_copy(
            table_hbm.at[pl.ds(0, CHUNK)], rows[p], gsem[p]
        ).wait()

    def wait_outs(p):
        for dt in range(8):
            pltpu.make_async_copy(
                stage[p].at[pl.ds(dt * 8, 8), pl.ds(0, CHUNK)],
                out_hbm.at[0, dt, 0],
                osem[p],
            ).wait()

    def transpose_unit(p):
        @plsc.parallel_loop(0, CHUNK, unroll=8)
        def _(b):
            b_bcast = jnp.full((16,), 0, jnp.int32) + b
            for q in range(4):
                v = rows[p][b, pl.ds(q * 16, 16)]
                plsc.store_scatter(stage[p], [d_idx[q], b_bcast], v)

    def fire_outs(s, p):
        for dt in range(8):
            pltpu.async_copy(
                stage[p].at[pl.ds(dt * 8, 8), pl.ds(0, CHUNK)],
                out_hbm.at[s, dt, w],
                osem[p],
            )

    fire_gather(0, 0)

    def step(s2, carry):
        for p in range(2):
            s = s2 * 2 + p

            @pl.when(s + 1 < B1)
            def _():
                fire_gather(s + 1, 1 - p)

            wait_gather(p)

            @pl.when(s >= 2)
            def _():
                wait_outs(p)

            transpose_unit(p)
            fire_outs(s, p)
        return carry

    lax.fori_loop(0, B1 // 2, step, 0)
    wait_outs(0)
    wait_outs(1)


def kernel(input_vector, table):
    ivt = input_vector.T.astype(jnp.int32)
    idx_op = ivt.reshape(B1, NW, CHUNK).transpose(1, 0, 2)
    o5 = _gather_kernel(idx_op, table)
    return o5.transpose(2, 4, 0, 1, 3).reshape(B0, B1, D)

# --- scband reference (transcript-rebuilt; emitter-appended) ---
"""Pipeline reference for scband-graph-embedder-41437844471815 (READ-ONLY COPY).

The authoritative reference and input builder live on the scoring server;
editing this copy changes nothing except your own understanding.
"""

import jax, jax.numpy as jnp
import numpy as np

NUM_EMBEDDINGS = 100000
EMBEDDING_DIM = 64

def setup_inputs(seed: int = 0) -> dict:
    key = jax.random.key(seed)
    k_idx, k_tab = jax.random.split(key)
    input_vector = jax.random.randint(k_idx, (4096, 50), 0, NUM_EMBEDDINGS, dtype=jnp.int64 if jax.config.read('jax_enable_x64') else jnp.int32)
    table = jax.random.normal(k_tab, (NUM_EMBEDDINGS, EMBEDDING_DIM), dtype=jnp.float32)
    return {"input_vector": input_vector, "table": table}

def reference(input_vector, table):
    # nn.Embedding forward: gather rows of the weight table by index
    return jnp.take(table, input_vector, axis=0)

if __name__ == "__main__":
    import jax
    _d = setup_inputs()
    print(jax.jit(kernel)(*tuple(_d.values())))

</pallas_src>

<mosaic_0001>
#map = affine_map<(d0, d1) -> (0, 0, 0)>
#map1 = affine_map<(d0, d1) -> (0, 0)>
#map2 = affine_map<(d0, d1) -> (0, 0, 0, 0, 0)>
module attributes {stable_mosaic.version = 14 : i64} {
  func.func @_gather_kernel(%arg0: i32, %arg1: i32, %arg2: memref<32x50x128xi32, #tpu.memory_space<hbm>>, %arg3: memref<100000x64xf32, #tpu.memory_space<hbm>>, %arg4: memref<50x8x32x8x128xf32, #tpu.memory_space<hbm>>, %arg5: memref<50x128xi32, #tpu.memory_space<vmem>>, %arg6: memref<128x64xf32, #tpu.memory_space<vmem>>, %arg7: memref<128x64xf32, #tpu.memory_space<vmem>>, %arg8: memref<64x136xf32, #tpu.memory_space<vmem>>, %arg9: memref<64x136xf32, #tpu.memory_space<vmem>>, %arg10: memref<!tpu.dma_semaphore, #tpu.memory_space<semaphore_mem>>, %arg11: memref<!tpu.dma_semaphore, #tpu.memory_space<semaphore_mem>>, %arg12: memref<!tpu.dma_semaphore, #tpu.memory_space<semaphore_mem>>, %arg13: memref<!tpu.dma_semaphore, #tpu.memory_space<semaphore_mem>>) attributes {dimension_semantics = [#tpu.dimension_semantics<core_parallel>, #tpu.dimension_semantics<subcore_parallel>], iteration_bounds = array<i64: 2, 16>, scalar_prefetch = 0 : i64, scratch_operands = 9 : i64, tpu.core_type = #tpu.core_type<sc_vector_subcore>, window_params = [{transform_indices = #map}, {transform_indices = #map1}, {transform_indices = #map2}]} {
    %mul3A = arith.constant 2 : i32
    %mul3A_0 = arith.muli %arg1, %mul3A : i32
    %add3A = arith.addi %mul3A_0, %arg0 : i32
    "tpu.region"() ({
      %run_scoped3A = tpu.sem_alloc : memref<!tpu.dma_semaphore, #tpu.memory_space<semaphore_mem>>
      %dma_start3A_295 = arith.constant 0 : i32
      %dma_start3A_296 = arith.constant 0 : i32
      %dma_start3A_297 = tpu.memref_slice %arg2[%add3A, %dma_start3A_295, %dma_start3A_296] : memref<32x50x128xi32, #tpu.memory_space<hbm>> -> memref<1x50x128xi32, #tpu.memory_space<hbm>>
      %dma_start3A_298 = tpu.memref_squeeze %dma_start3A_297 : memref<1x50x128xi32, #tpu.memory_space<hbm>> -> memref<50x128xi32, #tpu.memory_space<hbm>>
      %dma_start3A_299 = arith.constant 0 : i32
      %dma_start3A_300 = arith.constant 0 : i32
      %dma_start3A_301 = tpu.memref_slice %arg2[%add3A, %dma_start3A_299, %dma_start3A_300] : memref<32x50x128xi32, #tpu.memory_space<hbm>> -> memref<1x50x128xi32, #tpu.memory_space<hbm>>
      %dma_start3A_302 = tpu.memref_squeeze %dma_start3A_301 : memref<1x50x128xi32, #tpu.memory_space<hbm>> -> memref<50x128xi32, #tpu.memory_space<hbm>>
      tpu.enqueue_dma source(%dma_start3A_302 : memref<50x128xi32, #tpu.memory_space<hbm>>) target(%arg5 : memref<50x128xi32, #tpu.memory_space<vmem>>) target_semaphore(%run_scoped3A : memref<!tpu.dma_semaphore, #tpu.memory_space<semaphore_mem>>)
      %dma_wait3A_303 = arith.constant 0 : i32
      %dma_wait3A_304 = arith.constant 0 : i32
      %dma_wait3A_305 = tpu.memref_slice %arg2[%add3A, %dma_wait3A_303, %dma_wait3A_304] : memref<32x50x128xi32, #tpu.memory_space<hbm>> -> memref<1x50x128xi32, #tpu.memory_space<hbm>>
      %dma_wait3A_306 = tpu.memref_squeeze %dma_wait3A_305 : memref<1x50x128xi32, #tpu.memory_space<hbm>> -> memref<50x128xi32, #tpu.memory_space<hbm>>
      %dma_wait3A_307 = arith.constant 0 : i32
      %dma_wait3A_308 = arith.constant 0 : i32
      %dma_wait3A_309 = tpu.memref_slice %arg2[%add3A, %dma_wait3A_307, %dma_wait3A_308] : memref<32x50x128xi32, #tpu.memory_space<hbm>> -> memref<1x50x128xi32, #tpu.memory_space<hbm>>
      %dma_wait3A_310 = tpu.memref_squeeze %dma_wait3A_309 : memref<1x50x128xi32, #tpu.memory_space<hbm>> -> memref<50x128xi32, #tpu.memory_space<hbm>>
      tpu.wait_dma2 semaphore(%run_scoped3A : memref<!tpu.dma_semaphore, #tpu.memory_space<semaphore_mem>>) src(%dma_wait3A_310 : memref<50x128xi32, #tpu.memory_space<hbm>>) dst(%arg5 : memref<50x128xi32, #tpu.memory_space<vmem>>)
      tpu.yield
    }) : () -> ()
    %iota3A = tpu.iota {dimensions = array<i32: 0>} : vector<16xi32>
    %add3A_1 = arith.constant 0 : i32
    %add3A_2 = vector.broadcast %add3A_1 : i32 to vector<16xi32>
    %add3A_3 = arith.addi %iota3A, %add3A_2 : vector<16xi32>
    %add3A_4 = arith.constant 16 : i32
    %add3A_5 = vector.broadcast %add3A_4 : i32 to vector<16xi32>
    %add3A_6 = arith.addi %iota3A, %add3A_5 : vector<16xi32>
    %add3A_7 = arith.constant 32 : i32
    %add3A_8 = vector.broadcast %add3A_7 : i32 to vector<16xi32>
    %add3A_9 = arith.addi %iota3A, %add3A_8 : vector<16xi32>
    %add3A_10 = arith.constant 48 : i32
    %add3A_11 = vector.broadcast %add3A_10 : i32 to vector<16xi32>
    %add3A_12 = arith.addi %iota3A, %add3A_11 : vector<16xi32>
    %dma_start3A = arith.constant 0 : i32
    %dma_start3A_13 = arith.constant 0 : i32
    %dma_start3A_14 = tpu.memref_slice %arg5[%dma_start3A, %dma_start3A_13] : memref<50x128xi32, #tpu.memory_space<vmem>> -> memref<1x128xi32, #tpu.memory_space<vmem>>
    %dma_start3A_15 = tpu.memref_squeeze %dma_start3A_14 : memref<1x128xi32, #tpu.memory_space<vmem>> -> memref<128xi32, #tpu.memory_space<vmem>>
    %dma_start3A_16 = arith.constant 0 : i32
    %dma_start3A_17 = arith.constant 0 : i32
    %dma_start3A_18 = tpu.memref_slice %arg3[%dma_start3A_16, %dma_start3A_17] : memref<100000x64xf32, #tpu.memory_space<hbm>> -> memref<100000x64xf32, #tpu.memory_space<hbm>>
    tpu.enqueue_indirect_dma source(%dma_start3A_18 : memref<100000x64xf32, #tpu.memory_space<hbm>>) target(%arg6 : memref<128x64xf32, #tpu.memory_space<vmem>>) offsets(%dma_start3A_15 : memref<128xi32, #tpu.memory_space<vmem>>) semaphore(%arg10 : memref<!tpu.dma_semaphore, #tpu.memory_space<semaphore_mem>>)
    %scan3A = arith.constant 0 : i32
    %scan3A_19 = arith.constant 0 : i32
    %scan3A_20 = arith.constant 25 : i32
    %scan3A_21 = arith.addi %scan3A_19, %scan3A_20 : i32
    %scan3A_22 = arith.constant 1 : i32
    scf.for %scan3A_295 = %scan3A_19 to %scan3A_21 step %scan3A_22  : i32 {
      %mul3A_296 = arith.constant 2 : i32
      %mul3A_297 = arith.muli %scan3A_295, %mul3A_296 : i32
      %add3A_298 = arith.constant 0 : i32
      %add3A_299 = arith.addi %mul3A_297, %add3A_298 : i32
      %add3A_300 = arith.constant 1 : i32
      %add3A_301 = arith.addi %add3A_299, %add3A_300 : i32
      %lt3A = arith.constant 50 : i32
      %lt3A_302 = arith.cmpi slt, %add3A_301, %lt3A : i32
      %convert_element_type3A = arith.extui %lt3A_302 : i1 to i32
      %cond3A = arith.constant 0 : i32
      %cond3A_303 = arith.cmpi ne, %convert_element_type3A, %cond3A : i32
      scf.if %cond3A_303 {
        %add3A_581 = arith.constant 1 : i32
        %add3A_582 = arith.addi %add3A_299, %add3A_581 : i32
        %dma_start3A_583 = arith.constant 0 : i32
        %dma_start3A_584 = tpu.memref_slice %arg5[%add3A_582, %dma_start3A_583] : memref<50x128xi32, #tpu.memory_space<vmem>> -> memref<1x128xi32, #tpu.memory_space<vmem>>
        %dma_start3A_585 = tpu.memref_squeeze %dma_start3A_584 : memref<1x128xi32, #tpu.memory_space<vmem>> -> memref<128xi32, #tpu.memory_space<vmem>>
        %dma_start3A_586 = arith.constant 0 : i32
        %dma_start3A_587 = arith.constant 0 : i32
        %dma_start3A_588 = tpu.memref_slice %arg3[%dma_start3A_586, %dma_start3A_587] : memref<100000x64xf32, #tpu.memory_space<hbm>> -> memref<100000x64xf32, #tpu.memory_space<hbm>>
        tpu.enqueue_indirect_dma source(%dma_start3A_588 : memref<100000x64xf32, #tpu.memory_space<hbm>>) target(%arg7 : memref<128x64xf32, #tpu.memory_space<vmem>>) offsets(%dma_start3A_585 : memref<128xi32, #tpu.memory_space<vmem>>) semaphore(%arg11 : memref<!tpu.dma_semaphore, #tpu.memory_space<semaphore_mem>>)
      } else {
      }
      %dma_wait3A_304 = arith.constant 0 : i32
      %dma_wait3A_305 = arith.constant 0 : i32
      %dma_wait3A_306 = tpu.memref_slice %arg3[%dma_wait3A_304, %dma_wait3A_305] : memref<100000x64xf32, #tpu.memory_space<hbm>> -> memref<128x64xf32, #tpu.memory_space<hbm>>
      %dma_wait3A_307 = arith.constant 0 : i32
      %dma_wait3A_308 = arith.constant 0 : i32
      %dma_wait3A_309 = tpu.memref_slice %arg3[%dma_wait3A_307, %dma_wait3A_308] : memref<100000x64xf32, #tpu.memory_space<hbm>> -> memref<128x64xf32, #tpu.memory_space<hbm>>
      tpu.wait_dma2 semaphore(%arg10 : memref<!tpu.dma_semaphore, #tpu.memory_space<semaphore_mem>>) src(%dma_wait3A_309 : memref<128x64xf32, #tpu.memory_space<hbm>>) dst(%arg6 : memref<128x64xf32, #tpu.memory_space<vmem>>)
      %ge3A = arith.constant 2 : i32
      %ge3A_310 = arith.cmpi sge, %add3A_299, %ge3A : i32
      %convert_element_type3A_311 = arith.extui %ge3A_310 : i1 to i32
      %cond3A_312 = arith.constant 0 : i32
      %cond3A_313 = arith.cmpi ne, %convert_element_type3A_311, %cond3A_312 : i32
      scf.if %cond3A_313 {
        %dma_wait3A_581 = arith.constant 0 : i32
        %dma_wait3A_582 = arith.constant 0 : i32
        %dma_wait3A_583 = arith.constant 0 : i32
        %dma_wait3A_584 = arith.constant 0 : i32
        %dma_wait3A_585 = arith.constant 0 : i32
        %dma_wait3A_586 = tpu.memref_slice %arg8[%dma_wait3A_584, %dma_wait3A_585] : memref<64x136xf32, #tpu.memory_space<vmem>> -> memref<8x128xf32, #tpu.memory_space<vmem>>
        %dma_wait3A_587 = arith.constant 0 : i32
        %dma_wait3A_588 = arith.constant 0 : i32
        %dma_wait3A_589 = tpu.memref_slice %arg4[%dma_wait3A_581, %dma_wait3A_582, %dma_wait3A_583, %dma_wait3A_587, %dma_wait3A_588] : memref<50x8x32x8x128xf32, #tpu.memory_space<hbm>> -> memref<1x1x1x8x128xf32, #tpu.memory_space<hbm>>
        %dma_wait3A_590 = tpu.memref_squeeze %dma_wait3A_589 : memref<1x1x1x8x128xf32, #tpu.memory_space<hbm>> -> memref<8x128xf32, #tpu.memory_space<hbm>>
        %dma_wait3A_591 = arith.constant 0 : i32
        %dma_wait3A_592 = arith.constant 0 : i32
        %dma_wait3A_593 = tpu.memref_slice %arg4[%dma_wait3A_581, %dma_wait3A_582, %dma_wait3A_583, %dma_wait3A_591, %dma_wait3A_592] : memref<50x8x32x8x128xf32, #tpu.memory_space<hbm>> -> memref<1x1x1x8x128xf32, #tpu.memory_space<hbm>>
        %dma_wait3A_594 = tpu.memref_squeeze %dma_wait3A_593 : memref<1x1x1x8x128xf32, #tpu.memory_space<hbm>> -> memref<8x128xf32, #tpu.memory_space<hbm>>
        %dma_wait3A_595 = arith.constant 0 : i32
        %dma_wait3A_596 = arith.constant 0 : i32
        %dma_wait3A_597 = tpu.memref_slice %arg8[%dma_wait3A_595, %dma_wait3A_596] : memref<64x136xf32, #tpu.memory_space<vmem>> -> memref<8x128xf32, #tpu.memory_space<vmem>>
        tpu.wait_dma2 semaphore(%arg12 : memref<!tpu.dma_semaphore, #tpu.memory_space<semaphore_mem>>) src(%dma_wait3A_597 : memref<8x128xf32, #tpu.memory_space<vmem>>) dst(%dma_wait3A_594 : memref<8x128xf32, #tpu.memory_space<hbm>>)
        %dma_wait3A_598 = arith.constant 0 : i32
        %dma_wait3A_599 = arith.constant 1 : i32
        %dma_wait3A_600 = arith.constant 0 : i32
        %dma_wait3A_601 = arith.constant 8 : i32
        %dma_wait3A_602 = arith.constant 0 : i32
        %dma_wait3A_603 = tpu.memref_slice %arg8[%dma_wait3A_601, %dma_wait3A_602] : memref<64x136xf32, #tpu.memory_space<vmem>> -> memref<8x128xf32, #tpu.memory_space<vmem>>
        %dma_wait3A_604 = arith.constant 0 : i32
        %dma_wait3A_605 = arith.constant 0 : i32
        %dma_wait3A_606 = tpu.memref_slice %arg4[%dma_wait3A_598, %dma_wait3A_599, %dma_wait3A_600, %dma_wait3A_604, %dma_wait3A_605] : memref<50x8x32x8x128xf32, #tpu.memory_space<hbm>> -> memref<1x1x1x8x128xf32, #tpu.memory_space<hbm>>
        %dma_wait3A_607 = tpu.memref_squeeze %dma_wait3A_606 : memref<1x1x1x8x128xf32, #tpu.memory_space<hbm>> -> memref<8x128xf32, #tpu.memory_space<hbm>>
        %dma_wait3A_608 = arith.constant 0 : i32
        %dma_wait3A_609 = arith.constant 0 : i32
        %dma_wait3A_610 = tpu.memref_slice %arg4[%dma_wait3A_598, %dma_wait3A_599, %dma_wait3A_600, %dma_wait3A_608, %dma_wait3A_609] : memref<50x8x32x8x128xf32, #tpu.memory_space<hbm>> -> memref<1x1x1x8x128xf32, #tpu.memory_space<hbm>>
        %dma_wait3A_611 = tpu.memref_squeeze %dma_wait3A_610 : memref<1x1x1x8x128xf32, #tpu.memory_space<hbm>> -> memref<8x128xf32, #tpu.memory_space<hbm>>
        %dma_wait3A_612 = arith.constant 8 : i32
        %dma_wait3A_613 = arith.constant 0 : i32
        %dma_wait3A_614 = tpu.memref_slice %arg8[%dma_wait3A_612, %dma_wait3A_613] : memref<64x136xf32, #tpu.memory_space<vmem>> -> memref<8x128xf32, #tpu.memory_space<vmem>>
        tpu.wait_dma2 semaphore(%arg12 : memref<!tpu.dma_semaphore, #tpu.memory_space<semaphore_mem>>) src(%dma_wait3A_614 : memref<8x128xf32, #tpu.memory_space<vmem>>) dst(%dma_wait3A_611 : memref<8x128xf32, #tpu.memory_space<hbm>>)
        %dma_wait3A_615 = arith.constant 0 : i32
        %dma_wait3A_616 = arith.constant 2 : i32
        %dma_wait3A_617 = arith.constant 0 : i32
        %dma_wait3A_618 = arith.constant 16 : i32
        %dma_wait3A_619 = arith.constant 0 : i32
        %dma_wait3A_620 = tpu.memref_slice %arg8[%dma_wait3A_618, %dma_wait3A_619] : memref<64x136xf32, #tpu.memory_space<vmem>> -> memref<8x128xf32, #tpu.memory_space<vmem>>
        %dma_wait3A_621 = arith.constant 0 : i32
        %dma_wait3A_622 = arith.constant 0 : i32
        %dma_wait3A_623 = tpu.memref_slice %arg4[%dma_wait3A_615, %dma_wait3A_616, %dma_wait3A_617, %dma_wait3A_621, %dma_wait3A_622] : memref<50x8x32x8x128xf32, #tpu.memory_space<hbm>> -> memref<1x1x1x8x128xf32, #tpu.memory_space<hbm>>
        %dma_wait3A_624 = tpu.memref_squeeze %dma_wait3A_623 : memref<1x1x1x8x128xf32, #tpu.memory_space<hbm>> -> memref<8x128xf32, #tpu.memory_space<hbm>>
        %dma_wait3A_625 = arith.constant 0 : i32
        %dma_wait3A_626 = arith.constant 0 : i32
        %dma_wait3A_627 = tpu.memref_slice %arg4[%dma_wait3A_615, %dma_wait3A_616, %dma_wait3A_617, %dma_wait3A_625, %dma_wait3A_626] : memref<50x8x32x8x128xf32, #tpu.memory_space<hbm>> -> memref<1x1x1x8x128xf32, #tpu.memory_space<hbm>>
        %dma_wait3A_628 = tpu.memref_squeeze %dma_wait3A_627 : memref<1x1x1x8x128xf32, #tpu.memory_space<hbm>> -> memref<8x128xf32, #tpu.memory_space<hbm>>
        %dma_wait3A_629 = arith.constant 16 : i32
        %dma_wait3A_630 = arith.constant 0 : i32
        %dma_wait3A_631 = tpu.memref_slice %arg8[%dma_wait3A_629, %dma_wait3A_630] : memref<64x136xf32, #tpu.memory_space<vmem>> -> memref<8x128xf32, #tpu.memory_space<vmem>>
        tpu.wait_dma2 semaphore(%arg12 : memref<!tpu.dma_semaphore, #tpu.memory_space<semaphore_mem>>) src(%dma_wait3A_631 : memref<8x128xf32, #tpu.memory_space<vmem>>) dst(%dma_wait3A_628 : memref<8x128xf32, #tpu.memory_space<hbm>>)
        %dma_wait3A_632 = arith.constant 0 : i32
        %dma_wait3A_633 = arith.constant 3 : i32
        %dma_wait3A_634 = arith.constant 0 : i32
        %dma_wait3A_635 = arith.constant 24 : i32
        %dma_wait3A_636 = arith.constant 0 : i32
        %dma_wait3A_637 = tpu.memref_slice %arg8[%dma_wait3A_635, %dma_wait3A_636] : memref<64x136xf32, #tpu.memory_space<vmem>> -> memref<8x128xf32, #tpu.memory_space<vmem>>
        %dma_wait3A_638 = arith.constant 0 : i32
        %dma_wait3A_639 = arith.constant 0 : i32
        %dma_wait3A_640 = tpu.memref_slice %arg4[%dma_wait3A_632, %dma_wait3A_633, %dma_wait3A_634, %dma_wait3A_638, %dma_wait3A_639] : memref<50x8x32x8x128xf32, #tpu.memory_space<hbm>> -> memref<1x1x1x8x128xf32, #tpu.memory_space<hbm>>
        %dma_wait3A_641 = tpu.memref_squeeze %dma_wait3A_640 : memref<1x1x1x8x128xf32, #tpu.memory_space<hbm>> -> memref<8x128xf32, #tpu.memory_space<hbm>>
        %dma_wait3A_642 = arith.constant 0 : i32
        %dma_wait3A_643 = arith.constant 0 : i32
        %dma_wait3A_644 = tpu.memref_slice %arg4[%dma_wait3A_632, %dma_wait3A_633, %dma_wait3A_634, %dma_wait3A_642, %dma_wait3A_643] : memref<50x8x32x8x128xf32, #tpu.memory_space<hbm>> -> memref<1x1x1x8x128xf32, #tpu.memory_space<hbm>>
        %dma_wait3A_645 = tpu.memref_squeeze %dma_wait3A_644 : memref<1x1x1x8x128xf32, #tpu.memory_space<hbm>> -> memref<8x128xf32, #tpu.memory_space<hbm>>
        %dma_wait3A_646 = arith.constant 24 : i32
        %dma_wait3A_647 = arith.constant 0 : i32
        %dma_wait3A_648 = tpu.memref_slice %arg8[%dma_wait3A_646, %dma_wait3A_647] : memref<64x136xf32, #tpu.memory_space<vmem>> -> memref<8x128xf32, #tpu.memory_space<vmem>>
        tpu.wait_dma2 semaphore(%arg12 : memref<!tpu.dma_semaphore, #tpu.memory_space<semaphore_mem>>) src(%dma_wait3A_648 : memref<8x128xf32, #tpu.memory_space<vmem>>) dst(%dma_wait3A_645 : memref<8x128xf32, #tpu.memory_space<hbm>>)
        %dma_wait3A_649 = arith.constant 0 : i32
        %dma_wait3A_650 = arith.constant 4 : i32
        %dma_wait3A_651 = arith.constant 0 : i32
        %dma_wait3A_652 = arith.constant 32 : i32
        %dma_wait3A_653 = arith.constant 0 : i32
        %dma_wait3A_654 = tpu.memref_slice %arg8[%dma_wait3A_652, %dma_wait3A_653] : memref<64x136xf32, #tpu.memory_space<vmem>> -> memref<8x128xf32, #tpu.memory_space<vmem>>
        %dma_wait3A_655 = arith.constant 0 : i32
        %dma_wait3A_656 = arith.constant 0 : i32
        %dma_wait3A_657 = tpu.memref_slice %arg4[%dma_wait3A_649, %dma_wait3A_650, %dma_wait3A_651, %dma_wait3A_655, %dma_wait3A_656] : memref<50x8x32x8x128xf32, #tpu.memory_space<hbm>> -> memref<1x1x1x8x128xf32, #tpu.memory_space<hbm>>
        %dma_wait3A_658 = tpu.memref_squeeze %dma_wait3A_657 : memref<1x1x1x8x128xf32, #tpu.memory_space<hbm>> -> memref<8x128xf32, #tpu.memory_space<hbm>>
        %dma_wait3A_659 = arith.constant 0 : i32
        %dma_wait3A_660 = arith.constant 0 : i32
        %dma_wait3A_661 = tpu.memref_slice %arg4[%dma_wait3A_649, %dma_wait3A_650, %dma_wait3A_651, %dma_wait3A_659, %dma_wait3A_660] : memref<50x8x32x8x128xf32, #tpu.memory_space<hbm>> -> memref<1x1x1x8x128xf32, #tpu.memory_space<hbm>>
        %dma_wait3A_662 = tpu.memref_squeeze %dma_wait3A_661 : memref<1x1x1x8x128xf32, #tpu.memory_space<hbm>> -> memref<8x128xf32, #tpu.memory_space<hbm>>
        %dma_wait3A_663 = arith.constant 32 : i32
        %dma_wait3A_664 = arith.constant 0 : i32
        %dma_wait3A_665 = tpu.memref_slice %arg8[%dma_wait3A_663, %dma_wait3A_664] : memref<64x136xf32, #tpu.memory_space<vmem>> -> memref<8x128xf32, #tpu.memory_space<vmem>>
        tpu.wait_dma2 semaphore(%arg12 : memref<!tpu.dma_semaphore, #tpu.memory_space<semaphore_mem>>) src(%dma_wait3A_665 : memref<8x128xf32, #tpu.memory_space<vmem>>) dst(%dma_wait3A_662 : memref<8x128xf32, #tpu.memory_space<hbm>>)
        %dma_wait3A_666 = arith.constant 0 : i32
        %dma_wait3A_667 = arith.constant 5 : i32
        %dma_wait3A_668 = arith.constant 0 : i32
        %dma_wait3A_669 = arith.constant 40 : i32
        %dma_wait3A_670 = arith.constant 0 : i32
        %dma_wait3A_671 = tpu.memref_slice %arg8[%dma_wait3A_669, %dma_wait3A_670] : memref<64x136xf32, #tpu.memory_space<vmem>> -> memref<8x128xf32, #tpu.memory_space<vmem>>
        %dma_wait3A_672 = arith.constant 0 : i32
        %dma_wait3A_673 = arith.constant 0 : i32
        %dma_wait3A_674 = tpu.memref_slice %arg4[%dma_wait3A_666, %dma_wait3A_667, %dma_wait3A_668, %dma_wait3A_672, %dma_wait3A_673] : memref<50x8x32x8x128xf32, #tpu.memory_space<hbm>> -> memref<1x1x1x8x128xf32, #tpu.memory_space<hbm>>
        %dma_wait3A_675 = tpu.memref_squeeze %dma_wait3A_674 : memref<1x1x1x8x128xf32, #tpu.memory_space<hbm>> -> memref<8x128xf32, #tpu.memory_space<hbm>>
        %dma_wait3A_676 = arith.constant 0 : i32
        %dma_wait3A_677 = arith.constant 0 : i32
        %dma_wait3A_678 = tpu.memref_slice %arg4[%dma_wait3A_666, %dma_wait3A_667, %dma_wait3A_668, %dma_wait3A_676, %dma_wait3A_677] : memref<50x8x32x8x128xf32, #tpu.memory_space<hbm>> -> memref<1x1x1x8x128xf32, #tpu.memory_space<hbm>>
        %dma_wait3A_679 = tpu.memref_squeeze %dma_wait3A_678 : memref<1x1x1x8x128xf32, #tpu.memory_space<hbm>> -> memref<8x128xf32, #tpu.memory_space<hbm>>
        %dma_wait3A_680 = arith.constant 40 : i32
        %dma_wait3A_681 = arith.constant 0 : i32
        %dma_wait3A_682 = tpu.memref_slice %arg8[%dma_wait3A_680, %dma_wait3A_681] : memref<64x136xf32, #tpu.memory_space<vmem>> -> memref<8x128xf32, #tpu.memory_space<vmem>>
        tpu.wait_dma2 semaphore(%arg12 : memref<!tpu.dma_semaphore, #tpu.memory_space<semaphore_mem>>) src(%dma_wait3A_682 : memref<8x128xf32, #tpu.memory_space<vmem>>) dst(%dma_wait3A_679 : memref<8x128xf32, #tpu.memory_space<hbm>>)
        %dma_wait3A_683 = arith.constant 0 : i32
        %dma_wait3A_684 = arith.constant 6 : i32
        %dma_wait3A_685 = arith.constant 0 : i32
        %dma_wait3A_686 = arith.constant 48 : i32
        %dma_wait3A_687 = arith.constant 0 : i32
        %dma_wait3A_688 = tpu.memref_slice %arg8[%dma_wait3A_686, %dma_wait3A_687] : memref<64x136xf32, #tpu.memory_space<vmem>> -> memref<8x128xf32, #tpu.memory_space<vmem>>
        %dma_wait3A_689 = arith.constant 0 : i32
        %dma_wait3A_690 = arith.constant 0 : i32
        %dma_wait3A_691 = tpu.memref_slice %arg4[%dma_wait3A_683, %dma_wait3A_684, %dma_wait3A_685, %dma_wait3A_689, %dma_wait3A_690] : memref<50x8x32x8x128xf32, #tpu.memory_space<hbm>> -> memref<1x1x1x8x128xf32, #tpu.memory_space<hbm>>
        %dma_wait3A_692 = tpu.memref_squeeze %dma_wait3A_691 : memref<1x1x1x8x128xf32, #tpu.memory_space<hbm>> -> memref<8x128xf32, #tpu.memory_space<hbm>>
        %dma_wait3A_693 = arith.constant 0 : i32
        %dma_wait3A_694 = arith.constant 0 : i32
        %dma_wait3A_695 = tpu.memref_slice %arg4[%dma_wait3A_683, %dma_wait3A_684, %dma_wait3A_685, %dma_wait3A_693, %dma_wait3A_694] : memref<50x8x32x8x128xf32, #tpu.memory_space<hbm>> -> memref<1x1x1x8x128xf32, #tpu.memory_space<hbm>>
        %dma_wait3A_696 = tpu.memref_squeeze %dma_wait3A_695 : memref<1x1x1x8x128xf32, #tpu.memory_space<hbm>> -> memref<8x128xf32, #tpu.memory_space<hbm>>
        %dma_wait3A_697 = arith.constant 48 : i32
        %dma_wait3A_698 = arith.constant 0 : i32
        %dma_wait3A_699 = tpu.memref_slice %arg8[%dma_wait3A_697, %dma_wait3A_698] : memref<64x136xf32, #tpu.memory_space<vmem>> -> memref<8x128xf32, #tpu.memory_space<vmem>>
        tpu.wait_dma2 semaphore(%arg12 : memref<!tpu.dma_semaphore, #tpu.memory_space<semaphore_mem>>) src(%dma_wait3A_699 : memref<8x128xf32, #tpu.memory_space<vmem>>) dst(%dma_wait3A_696 : memref<8x128xf32, #tpu.memory_space<hbm>>)
        %dma_wait3A_700 = arith.constant 0 : i32
        %dma_wait3A_701 = arith.constant 7 : i32
        %dma_wait3A_702 = arith.constant 0 : i32
        %dma_wait3A_703 = arith.constant 56 : i32
        %dma_wait3A_704 = arith.constant 0 : i32
        %dma_wait3A_705 = tpu.memref_slice %arg8[%dma_wait3A_703, %dma_wait3A_704] : memref<64x136xf32, #tpu.memory_space<vmem>> -> memref<8x128xf32, #tpu.memory_space<vmem>>
        %dma_wait3A_706 = arith.constant 0 : i32
        %dma_wait3A_707 = arith.constant 0 : i32
        %dma_wait3A_708 = tpu.memref_slice %arg4[%dma_wait3A_700, %dma_wait3A_701, %dma_wait3A_702, %dma_wait3A_706, %dma_wait3A_707] : memref<50x8x32x8x128xf32, #tpu.memory_space<hbm>> -> memref<1x1x1x8x128xf32, #tpu.memory_space<hbm>>
        %dma_wait3A_709 = tpu.memref_squeeze %dma_wait3A_708 : memref<1x1x1x8x128xf32, #tpu.memory_space<hbm>> -> memref<8x128xf32, #tpu.memory_space<hbm>>
        %dma_wait3A_710 = arith.constant 0 : i32
        %dma_wait3A_711 = arith.constant 0 : i32
        %dma_wait3A_712 = tpu.memref_slice %arg4[%dma_wait3A_700, %dma_wait3A_701, %dma_wait3A_702, %dma_wait3A_710, %dma_wait3A_711] : memref<50x8x32x8x128xf32, #tpu.memory_space<hbm>> -> memref<1x1x1x8x128xf32, #tpu.memory_space<hbm>>
        %dma_wait3A_713 = tpu.memref_squeeze %dma_wait3A_712 : memref<1x1x1x8x128xf32, #tpu.memory_space<hbm>> -> memref<8x128xf32, #tpu.memory_space<hbm>>
        %dma_wait3A_714 = arith.constant 56 : i32
        %dma_wait3A_715 = arith.constant 0 : i32
        %dma_wait3A_716 = tpu.memref_slice %arg8[%dma_wait3A_714, %dma_wait3A_715] : memref<64x136xf32, #tpu.memory_space<vmem>> -> memref<8x128xf32, #tpu.memory_space<vmem>>
        tpu.wait_dma2 semaphore(%arg12 : memref<!tpu.dma_semaphore, #tpu.memory_space<semaphore_mem>>) src(%dma_wait3A_716 : memref<8x128xf32, #tpu.memory_space<vmem>>) dst(%dma_wait3A_713 : memref<8x128xf32, #tpu.memory_space<hbm>>)
      } else {
      }
      %parallel_loop3A = arith.constant 0 : i32
      %parallel_loop3A_314 = arith.constant 128 : i32
      %parallel_loop3A_315 = arith.constant 1 : i32
      scf.for %parallel_loop3A_581 = %parallel_loop3A to %parallel_loop3A_314 step %parallel_loop3A_315  : i32 {
        %parallel_loop3A_582 = arith.constant 0 : i32
        %parallel_loop3A_583 = vector.broadcast %parallel_loop3A_582 : i32 to vector<16xi32>
        %parallel_loop3A_584 = vector.broadcast %parallel_loop3A_581 : i32 to vector<16xi32>
        %parallel_loop3A_585 = arith.addi %parallel_loop3A_583, %parallel_loop3A_584 : vector<16xi32>
        %parallel_loop3A_586 = arith.index_cast %parallel_loop3A_581 : i32 to index
        %parallel_loop3A_587 = arith.constant 0 : index
        %parallel_loop3A_588 = tpu.vector_load %arg6[%parallel_loop3A_586, %parallel_loop3A_587] {strides = array<i32>} : memref<128x64xf32, #tpu.memory_space<vmem>>, vector<16xf32>,
        tpu.vector_store_idx %arg8[%add3A_3, %parallel_loop3A_585], %parallel_loop3A_588 : memref<64x136xf32, #tpu.memory_space<vmem>>[vector<16xi32>, vector<16xi32>], vector<16xf32>,
        %parallel_loop3A_589 = arith.index_cast %parallel_loop3A_581 : i32 to index
        %parallel_loop3A_590 = arith.constant 16 : index
        %parallel_loop3A_591 = tpu.vector_load %arg6[%parallel_loop3A_589, %parallel_loop3A_590] {strides = array<i32>} : memref<128x64xf32, #tpu.memory_space<vmem>>, vector<16xf32>,
        tpu.vector_store_idx %arg8[%add3A_6, %parallel_loop3A_585], %parallel_loop3A_591 : memref<64x136xf32, #tpu.memory_space<vmem>>[vector<16xi32>, vector<16xi32>], vector<16xf32>,
        %parallel_loop3A_592 = arith.index_cast %parallel_loop3A_581 : i32 to index
        %parallel_loop3A_593 = arith.constant 32 : index
        %parallel_loop3A_594 = tpu.vector_load %arg6[%parallel_loop3A_592, %parallel_loop3A_593] {strides = array<i32>} : memref<128x64xf32, #tpu.memory_space<vmem>>, vector<16xf32>,
        tpu.vector_store_idx %arg8[%add3A_9, %parallel_loop3A_585], %parallel_loop3A_594 : memref<64x136xf32, #tpu.memory_space<vmem>>[vector<16xi32>, vector<16xi32>], vector<16xf32>,
        %parallel_loop3A_595 = arith.index_cast %parallel_loop3A_581 : i32 to index
        %parallel_loop3A_596 = arith.constant 48 : index
        %parallel_loop3A_597 = tpu.vector_load %arg6[%parallel_loop3A_595, %parallel_loop3A_596] {strides = array<i32>} : memref<128x64xf32, #tpu.memory_space<vmem>>, vector<16xf32>,
        tpu.vector_store_idx %arg8[%add3A_12, %parallel_loop3A_585], %parallel_loop3A_597 : memref<64x136xf32, #tpu.memory_space<vmem>>[vector<16xi32>, vector<16xi32>], vector<16xf32>,
      } {sc.loop_unroll_factor = 8 : i64, sc.parallel_access}
      %dma_start3A_316 = arith.constant 0 : i32
      %dma_start3A_317 = arith.constant 0 : i32
      %dma_start3A_318 = arith.constant 0 : i32
      %dma_start3A_319 = tpu.memref_slice %arg8[%dma_start3A_317, %dma_start3A_318] : memref<64x136xf32, #tpu.memory_space<vmem>> -> memref<8x128xf32, #tpu.memory_space<vmem>>
      %dma_start3A_320 = arith.constant 0 : i32
      %dma_start3A_321 = arith.constant 0 : i32
      %dma_start3A_322 = tpu.memref_slice %arg4[%add3A_299, %dma_start3A_316, %add3A, %dma_start3A_320, %dma_start3A_321] : memref<50x8x32x8x128xf32, #tpu.memory_space<hbm>> -> memref<1x1x1x8x128xf32, #tpu.memory_space<hbm>>
      %dma_start3A_323 = tpu.memref_squeeze %dma_start3A_322 : memref<1x1x1x8x128xf32, #tpu.memory_space<hbm>> -> memref<8x128xf32, #tpu.memory_space<hbm>>
      %dma_start3A_324 = arith.constant 0 : i32
      %dma_start3A_325 = arith.constant 0 : i32
      %dma_start3A_326 = tpu.memref_slice %arg4[%add3A_299, %dma_start3A_316, %add3A, %dma_start3A_324, %dma_start3A_325] : memref<50x8x32x8x128xf32, #tpu.memory_space<hbm>> -> memref<1x1x1x8x128xf32, #tpu.memory_space<hbm>>
      %dma_start3A_327 = tpu.memref_squeeze %dma_start3A_326 : memref<1x1x1x8x128xf32, #tpu.memory_space<hbm>> -> memref<8x128xf32, #tpu.memory_space<hbm>>
      %dma_start3A_328 = arith.constant 0 : i32
      %dma_start3A_329 = arith.constant 0 : i32
      %dma_start3A_330 = tpu.memref_slice %arg8[%dma_start3A_328, %dma_start3A_329] : memref<64x136xf32, #tpu.memory_space<vmem>> -> memref<8x128xf32, #tpu.memory_space<vmem>>
      tpu.enqueue_dma source(%dma_start3A_330 : memref<8x128xf32, #tpu.memory_space<vmem>>) target(%dma_start3A_327 : memref<8x128xf32, #tpu.memory_space<hbm>>) target_semaphore(%arg12 : memref<!tpu.dma_semaphore, #tpu.memory_space<semaphore_mem>>)
      %dma_start3A_331 = arith.constant 1 : i32
      %dma_start3A_332 = arith.constant 8 : i32
      %dma_start3A_333 = arith.constant 0 : i32
      %dma_start3A_334 = tpu.memref_slice %arg8[%dma_start3A_332, %dma_start3A_333] : memref<64x136xf32, #tpu.memory_space<vmem>> -> memref<8x128xf32, #tpu.memory_space<vmem>>
      %dma_start3A_335 = arith.constant 0 : i32
      %dma_start3A_336 = arith.constant 0 : i32
      %dma_start3A_337 = tpu.memref_slice %arg4[%add3A_299, %dma_start3A_331, %add3A, %dma_start3A_335, %dma_start3A_336] : memref<50x8x32x8x128xf32, #tpu.memory_space<hbm>> -> memref<1x1x1x8x128xf32, #tpu.memory_space<hbm>>
      %dma_start3A_338 = tpu.memref_squeeze %dma_start3A_337 : memref<1x1x1x8x128xf32, #tpu.memory_space<hbm>> -> memref<8x128xf32, #tpu.memory_space<hbm>>
      %dma_start3A_339 = arith.constant 0 : i32
      %dma_start3A_340 = arith.constant 0 : i32
      %dma_start3A_341 = tpu.memref_slice %arg4[%add3A_299, %dma_start3A_331, %add3A, %dma_start3A_339, %dma_start3A_340] : memref<50x8x32x8x128xf32, #tpu.memory_space<hbm>> -> memref<1x1x1x8x128xf32, #tpu.memory_space<hbm>>
      %dma_start3A_342 = tpu.memref_squeeze %dma_start3A_341 : memref<1x1x1x8x128xf32, #tpu.memory_space<hbm>> -> memref<8x128xf32, #tpu.memory_space<hbm>>
      %dma_start3A_343 = arith.constant 8 : i32
      %dma_start3A_344 = arith.constant 0 : i32
      %dma_start3A_345 = tpu.memref_slice %arg8[%dma_start3A_343, %dma_start3A_344] : memref<64x136xf32, #tpu.memory_space<vmem>> -> memref<8x128xf32, #tpu.memory_space<vmem>>
      tpu.enqueue_dma source(%dma_start3A_345 : memref<8x128xf32, #tpu.memory_space<vmem>>) target(%dma_start3A_342 : memref<8x128xf32, #tpu.memory_space<hbm>>) target_semaphore(%arg12 : memref<!tpu.dma_semaphore, #tpu.memory_space<semaphore_mem>>)
      %dma_start3A_346 = arith.constant 2 : i32
      %dma_start3A_347 = arith.constant 16 : i32
      %dma_start3A_348 = arith.constant 0 : i32
      %dma_start3A_349 = tpu.memref_slice %arg8[%dma_start3A_347, %dma_start3A_348] : memref<64x136xf32, #tpu.memory_space<vmem>> -> memref<8x128xf32, #tpu.memory_space<vmem>>
      %dma_start3A_350 = arith.constant 0 : i32
      %dma_start3A_351 = arith.constant 0 : i32
      %dma_start3A_352 = tpu.memref_slice %arg4[%add3A_299, %dma_start3A_346, %add3A, %dma_start3A_350, %dma_start3A_351] : memref<50x8x32x8x128xf32, #tpu.memory_space<hbm>> -> memref<1x1x1x8x128xf32, #tpu.memory_space<hbm>>
      %dma_start3A_353 = tpu.memref_squeeze %dma_start3A_352 : memref<1x1x1x8x128xf32, #tpu.memory_space<hbm>> -> memref<8x128xf32, #tpu.memory_space<hbm>>
      %dma_start3A_354 = arith.constant 0 : i32
      %dma_start3A_355 = arith.constant 0 : i32
      %dma_start3A_356 = tpu.memref_slice %arg4[%add3A_299, %dma_start3A_346, %add3A, %dma_start3A_354, %dma_start3A_355] : memref<50x8x32x8x128xf32, #tpu.memory_space<hbm>> -> memref<1x1x1x8x128xf32, #tpu.memory_space<hbm>>
      %dma_start3A_357 = tpu.memref_squeeze %dma_start3A_356 : memref<1x1x1x8x128xf32, #tpu.memory_space<hbm>> -> memref<8x128xf32, #tpu.memory_space<hbm>>
      %dma_start3A_358 = arith.constant 16 : i32
      %dma_start3A_359 = arith.constant 0 : i32
      %dma_start3A_360 = tpu.memref_slice %arg8[%dma_start3A_358, %dma_start3A_359] : memref<64x136xf32, #tpu.memory_space<vmem>> -> memref<8x128xf32, #tpu.memory_space<vmem>>
      tpu.enqueue_dma source(%dma_start3A_360 : memref<8x128xf32, #tpu.memory_space<vmem>>) target(%dma_start3A_357 : memref<8x128xf32, #tpu.memory_space<hbm>>) target_semaphore(%arg12 : memref<!tpu.dma_semaphore, #tpu.memory_space<semaphore_mem>>)
      %dma_start3A_361 = arith.constant 3 : i32
      %dma_start3A_362 = arith.constant 24 : i32
      %dma_start3A_363 = arith.constant 0 : i32
      %dma_start3A_364 = tpu.memref_slice %arg8[%dma_start3A_362, %dma_start3A_363] : memref<64x136xf32, #tpu.memory_space<vmem>> -> memref<8x128xf32, #tpu.memory_space<vmem>>
      %dma_start3A_365 = arith.constant 0 : i32
      %dma_start3A_366 = arith.constant 0 : i32
      %dma_start3A_367 = tpu.memref_slice %arg4[%add3A_299, %dma_start3A_361, %add3A, %dma_start3A_365, %dma_start3A_366] : memref<50x8x32x8x128xf32, #tpu.memory_space<hbm>> -> memref<1x1x1x8x128xf32, #tpu.memory_space<hbm>>
      %dma_start3A_368 = tpu.memref_squeeze %dma_start3A_367 : memref<1x1x1x8x128xf32, #tpu.memory_space<hbm>> -> memref<8x128xf32, #tpu.memory_space<hbm>>
      %dma_start3A_369 = arith.constant 0 : i32
      %dma_start3A_370 = arith.constant 0 : i32
      %dma_start3A_371 = tpu.memref_slice %arg4[%add3A_299, %dma_start3A_361, %add3A, %dma_start3A_369, %dma_start3A_370] : memref<50x8x32x8x128xf32, #tpu.memory_space<hbm>> -> memref<1x1x1x8x128xf32, #tpu.memory_space<hbm>>
      %dma_start3A_372 = tpu.memref_squeeze %dma_start3A_371 : memref<1x1x1x8x128xf32, #tpu.memory_space<hbm>> -> memref<8x128xf32, #tpu.memory_space<hbm>>
      %dma_start3A_373 = arith.constant 24 : i32
      %dma_start3A_374 = arith.constant 0 : i32
      %dma_start3A_375 = tpu.memref_slice %arg8[%dma_start3A_373, %dma_start3A_374] : memref<64x136xf32, #tpu.memory_space<vmem>> -> memref<8x128xf32, #tpu.memory_space<vmem>>
      tpu.enqueue_dma source(%dma_start3A_375 : memref<8x128xf32, #tpu.memory_space<vmem>>) target(%dma_start3A_372 : memref<8x128xf32, #tpu.memory_space<hbm>>) target_semaphore(%arg12 : memref<!tpu.dma_semaphore, #tpu.memory_space<semaphore_mem>>)
      %dma_start3A_376 = arith.constant 4 : i32
      %dma_start3A_377 = arith.constant 32 : i32
      %dma_start3A_378 = arith.constant 0 : i32
      %dma_start3A_379 = tpu.memref_slice %arg8[%dma_start3A_377, %dma_start3A_378] : memref<64x136xf32, #tpu.memory_space<vmem>> -> memref<8x128xf32, #tpu.memory_space<vmem>>
      %dma_start3A_380 = arith.constant 0 : i32
      %dma_start3A_381 = arith.constant 0 : i32
      %dma_start3A_382 = tpu.memref_slice %arg4[%add3A_299, %dma_start3A_376, %add3A, %dma_start3A_380, %dma_start3A_381] : memref<50x8x32x8x128xf32, #tpu.memory_space<hbm>> -> memref<1x1x1x8x128xf32, #tpu.memory_space<hbm>>
      %dma_start3A_383 = tpu.memref_squeeze %dma_start3A_382 : memref<1x1x1x8x128xf32, #tpu.memory_space<hbm>> -> memref<8x128xf32, #tpu.memory_space<hbm>>
      %dma_start3A_384 = arith.constant 0 : i32
      %dma_start3A_385 = arith.constant 0 : i32
      %dma_start3A_386 = tpu.memref_slice %arg4[%add3A_299, %dma_start3A_376, %add3A, %dma_start3A_384, %dma_start3A_385] : memref<50x8x32x8x128xf32, #tpu.memory_space<hbm>> -> memref<1x1x1x8x128xf32, #tpu.memory_space<hbm>>
      %dma_start3A_387 = tpu.memref_squeeze %dma_start3A_386 : memref<1x1x1x8x128xf32, #tpu.memory_space<hbm>> -> memref<8x128xf32, #tpu.memory_space<hbm>>
      %dma_start3A_388 = arith.constant 32 : i32
      %dma_start3A_389 = arith.constant 0 : i32
      %dma_start3A_390 = tpu.memref_slice %arg8[%dma_start3A_388, %dma_start3A_389] : memref<64x136xf32, #tpu.memory_space<vmem>> -> memref<8x128xf32, #tpu.memory_space<vmem>>
      tpu.enqueue_dma source(%dma_start3A_390 : memref<8x128xf32, #tpu.memory_space<vmem>>) target(%dma_start3A_387 : memref<8x128xf32, #tpu.memory_space<hbm>>) target_semaphore(%arg12 : memref<!tpu.dma_semaphore, #tpu.memory_space<semaphore_mem>>)
      %dma_start3A_391 = arith.constant 5 : i32
      %dma_start3A_392 = arith.constant 40 : i32
      %dma_start3A_393 = arith.constant 0 : i32
      %dma_start3A_394 = tpu.memref_slice %arg8[%dma_start3A_392, %dma_start3A_393] : memref<64x136xf32, #tpu.memory_space<vmem>> -> memref<8x128xf32, #tpu.memory_space<vmem>>
      %dma_start3A_395 = arith.constant 0 : i32
      %dma_start3A_396 = arith.constant 0 : i32
      %dma_start3A_397 = tpu.memref_slice %arg4[%add3A_299, %dma_start3A_391, %add3A, %dma_start3A_395, %dma_start3A_396] : memref<50x8x32x8x128xf32, #tpu.memory_space<hbm>> -> memref<1x1x1x8x128xf32, #tpu.memory_space<hbm>>
      %dma_start3A_398 = tpu.memref_squeeze %dma_start3A_397 : memref<1x1x1x8x128xf32, #tpu.memory_space<hbm>> -> memref<8x128xf32, #tpu.memory_space<hbm>>
      %dma_start3A_399 = arith.constant 0 : i32
      %dma_start3A_400 = arith.constant 0 : i32
      %dma_start3A_401 = tpu.memref_slice %arg4[%add3A_299, %dma_start3A_391, %add3A, %dma_start3A_399, %dma_start3A_400] : memref<50x8x32x8x128xf32, #tpu.memory_space<hbm>> -> memref<1x1x1x8x128xf32, #tpu.memory_space<hbm>>
      %dma_start3A_402 = tpu.memref_squeeze %dma_start3A_401 : memref<1x1x1x8x128xf32, #tpu.memory_space<hbm>> -> memref<8x128xf32, #tpu.memory_space<hbm>>
      %dma_start3A_403 = arith.constant 40 : i32
      %dma_start3A_404 = arith.constant 0 : i32
      %dma_start3A_405 = tpu.memref_slice %arg8[%dma_start3A_403, %dma_start3A_404] : memref<64x136xf32, #tpu.memory_space<vmem>> -> memref<8x128xf32, #tpu.memory_space<vmem>>
      tpu.enqueue_dma source(%dma_start3A_405 : memref<8x128xf32, #tpu.memory_space<vmem>>) target(%dma_start3A_402 : memref<8x128xf32, #tpu.memory_space<hbm>>) target_semaphore(%arg12 : memref<!tpu.dma_semaphore, #tpu.memory_space<semaphore_mem>>)
      %dma_start3A_406 = arith.constant 6 : i32
      %dma_start3A_407 = arith.constant 48 : i32
      %dma_start3A_408 = arith.constant 0 : i32
      %dma_start3A_409 = tpu.memref_slice %arg8[%dma_start3A_407, %dma_start3A_408] : memref<64x136xf32, #tpu.memory_space<vmem>> -> memref<8x128xf32, #tpu.memory_space<vmem>>
      %dma_start3A_410 = arith.constant 0 : i32
      %dma_start3A_411 = arith.constant 0 : i32
      %dma_start3A_412 = tpu.memref_slice %arg4[%add3A_299, %dma_start3A_406, %add3A, %dma_start3A_410, %dma_start3A_411] : memref<50x8x32x8x128xf32, #tpu.memory_space<hbm>> -> memref<1x1x1x8x128xf32, #tpu.memory_space<hbm>>
      %dma_start3A_413 = tpu.memref_squeeze %dma_start3A_412 : memref<1x1x1x8x128xf32, #tpu.memory_space<hbm>> -> memref<8x128xf32, #tpu.memory_space<hbm>>
      %dma_start3A_414 = arith.constant 0 : i32
      %dma_start3A_415 = arith.constant 0 : i32
      %dma_start3A_416 = tpu.memref_slice %arg4[%add3A_299, %dma_start3A_406, %add3A, %dma_start3A_414, %dma_start3A_415] : memref<50x8x32x8x128xf32, #tpu.memory_space<hbm>> -> memref<1x1x1x8x128xf32, #tpu.memory_space<hbm>>
      %dma_start3A_417 = tpu.memref_squeeze %dma_start3A_416 : memref<1x1x1x8x128xf32, #tpu.memory_space<hbm>> -> memref<8x128xf32, #tpu.memory_space<hbm>>
      %dma_start3A_418 = arith.constant 48 : i32
      %dma_start3A_419 = arith.constant 0 : i32
      %dma_start3A_420 = tpu.memref_slice %arg8[%dma_start3A_418, %dma_start3A_419] : memref<64x136xf32, #tpu.memory_space<vmem>> -> memref<8x128xf32, #tpu.memory_space<vmem>>
      tpu.enqueue_dma source(%dma_start3A_420 : memref<8x128xf32, #tpu.memory_space<vmem>>) target(%dma_start3A_417 : memref<8x128xf32, #tpu.memory_space<hbm>>) target_semaphore(%arg12 : memref<!tpu.dma_semaphore, #tpu.memory_space<semaphore_mem>>)
      %dma_start3A_421 = arith.constant 7 : i32
      %dma_start3A_422 = arith.constant 56 : i32
      %dma_start3A_423 = arith.constant 0 : i32
      %dma_start3A_424 = tpu.memref_slice %arg8[%dma_start3A_422, %dma_start3A_423] : memref<64x136xf32, #tpu.memory_space<vmem>> -> memref<8x128xf32, #tpu.memory_space<vmem>>
      %dma_start3A_425 = arith.constant 0 : i32
      %dma_start3A_426 = arith.constant 0 : i32
      %dma_start3A_427 = tpu.memref_slice %arg4[%add3A_299, %dma_start3A_421, %add3A, %dma_start3A_425, %dma_start3A_426] : memref<50x8x32x8x128xf32, #tpu.memory_space<hbm>> -> memref<1x1x1x8x128xf32, #tpu.memory_space<hbm>>
      %dma_start3A_428 = tpu.memref_squeeze %dma_start3A_427 : memref<1x1x1x8x128xf32, #tpu.memory_space<hbm>> -> memref<8x128xf32, #tpu.memory_space<hbm>>
      %dma_start3A_429 = arith.constant 0 : i32
      %dma_start3A_430 = arith.constant 0 : i32
      %dma_start3A_431 = tpu.memref_slice %arg4[%add3A_299, %dma_start3A_421, %add3A, %dma_start3A_429, %dma_start3A_430] : memref<50x8x32x8x128xf32, #tpu.memory_space<hbm>> -> memref<1x1x1x8x128xf32, #tpu.memory_space<hbm>>
      %dma_start3A_432 = tpu.memref_squeeze %dma_start3A_431 : memref<1x1x1x8x128xf32, #tpu.memory_space<hbm>> -> memref<8x128xf32, #tpu.memory_space<hbm>>
      %dma_start3A_433 = arith.constant 56 : i32
      %dma_start3A_434 = arith.constant 0 : i32
      %dma_start3A_435 = tpu.memref_slice %arg8[%dma_start3A_433, %dma_start3A_434] : memref<64x136xf32, #tpu.memory_space<vmem>> -> memref<8x128xf32, #tpu.memory_space<vmem>>
      tpu.enqueue_dma source(%dma_start3A_435 : memref<8x128xf32, #tpu.memory_space<vmem>>) target(%dma_start3A_432 : memref<8x128xf32, #tpu.memory_space<hbm>>) target_semaphore(%arg12 : memref<!tpu.dma_semaphore, #tpu.memory_space<semaphore_mem>>)
      %mul3A_436 = arith.constant 2 : i32
      %mul3A_437 = arith.muli %scan3A_295, %mul3A_436 : i32
      %add3A_438 = arith.constant 1 : i32
      %add3A_439 = arith.addi %mul3A_437, %add3A_438 : i32
      %add3A_440 = arith.constant 1 : i32
      %add3A_441 = arith.addi %add3A_439, %add3A_440 : i32
      %lt3A_442 = arith.constant 50 : i32
      %lt3A_443 = arith.cmpi slt, %add3A_441, %lt3A_442 : i32
      %convert_element_type3A_444 = arith.extui %lt3A_443 : i1 to i32
      %cond3A_445 = arith.constant 0 : i32
      %cond3A_446 = arith.cmpi ne, %convert_element_type3A_444, %cond3A_445 : i32
      scf.if %cond3A_446 {
        %add3A_581 = arith.constant 1 : i32
        %add3A_582 = arith.addi %add3A_439, %add3A_581 : i32
        %dma_start3A_583 = arith.constant 0 : i32
        %dma_start3A_584 = tpu.memref_slice %arg5[%add3A_582, %dma_start3A_583] : memref<50x128xi32, #tpu.memory_space<vmem>> -> memref<1x128xi32, #tpu.memory_space<vmem>>
        %dma_start3A_585 = tpu.memref_squeeze %dma_start3A_584 : memref<1x128xi32, #tpu.memory_space<vmem>> -> memref<128xi32, #tpu.memory_space<vmem>>
        %dma_start3A_586 = arith.constant 0 : i32
        %dma_start3A_587 = arith.constant 0 : i32
        %dma_start3A_588 = tpu.memref_slice %arg3[%dma_start3A_586, %dma_start3A_587] : memref<100000x64xf32, #tpu.memory_space<hbm>> -> memref<100000x64xf32, #tpu.memory_space<hbm>>
        tpu.enqueue_indirect_dma source(%dma_start3A_588 : memref<100000x64xf32, #tpu.memory_space<hbm>>) target(%arg6 : memref<128x64xf32, #tpu.memory_space<vmem>>) offsets(%dma_start3A_585 : memref<128xi32, #tpu.memory_space<vmem>>) semaphore(%arg10 : memref<!tpu.dma_semaphore, #tpu.memory_space<semaphore_mem>>)
      } else {
      }
      %dma_wait3A_447 = arith.constant 0 : i32
      %dma_wait3A_448 = arith.constant 0 : i32
      %dma_wait3A_449 = tpu.memref_slice %arg3[%dma_wait3A_447, %dma_wait3A_448] : memref<100000x64xf32, #tpu.memory_space<hbm>> -> memref<128x64xf32, #tpu.memory_space<hbm>>
      %dma_wait3A_450 = arith.constant 0 : i32
      %dma_wait3A_451 = arith.constant 0 : i32
      %dma_wait3A_452 = tpu.memref_slice %arg3[%dma_wait3A_450, %dma_wait3A_451] : memref<100000x64xf32, #tpu.memory_space<hbm>> -> memref<128x64xf32, #tpu.memory_space<hbm>>
      tpu.wait_dma2 semaphore(%arg11 : memref<!tpu.dma_semaphore, #tpu.memory_space<semaphore_mem>>) src(%dma_wait3A_452 : memref<128x64xf32, #tpu.memory_space<hbm>>) dst(%arg7 : memref<128x64xf32, #tpu.memory_space<vmem>>)
      %ge3A_453 = arith.constant 2 : i32
      %ge3A_454 = arith.cmpi sge, %add3A_439, %ge3A_453 : i32
      %convert_element_type3A_455 = arith.extui %ge3A_454 : i1 to i32
      %cond3A_456 = arith.constant 0 : i32
      %cond3A_457 = arith.cmpi ne, %convert_element_type3A_455, %cond3A_456 : i32
      scf.if %cond3A_457 {
        %dma_wait3A_581 = arith.constant 0 : i32
        %dma_wait3A_582 = arith.constant 0 : i32
        %dma_wait3A_583 = arith.constant 0 : i32
        %dma_wait3A_584 = arith.constant 0 : i32
        %dma_wait3A_585 = arith.constant 0 : i32
        %dma_wait3A_586 = tpu.memref_slice %arg9[%dma_wait3A_584, %dma_wait3A_585] : memref<64x136xf32, #tpu.memory_space<vmem>> -> memref<8x128xf32, #tpu.memory_space<vmem>>
        %dma_wait3A_587 = arith.constant 0 : i32
        %dma_wait3A_588 = arith.constant 0 : i32
        %dma_wait3A_589 = tpu.memref_slice %arg4[%dma_wait3A_581, %dma_wait3A_582, %dma_wait3A_583, %dma_wait3A_587, %dma_wait3A_588] : memref<50x8x32x8x128xf32, #tpu.memory_space<hbm>> -> memref<1x1x1x8x128xf32, #tpu.memory_space<hbm>>
        %dma_wait3A_590 = tpu.memref_squeeze %dma_wait3A_589 : memref<1x1x1x8x128xf32, #tpu.memory_space<hbm>> -> memref<8x128xf32, #tpu.memory_space<hbm>>
        %dma_wait3A_591 = arith.constant 0 : i32
        %dma_wait3A_592 = arith.constant 0 : i32
        %dma_wait3A_593 = tpu.memref_slice %arg4[%dma_wait3A_581, %dma_wait3A_582, %dma_wait3A_583, %dma_wait3A_591, %dma_wait3A_592] : memref<50x8x32x8x128xf32, #tpu.memory_space<hbm>> -> memref<1x1x1x8x128xf32, #tpu.memory_space<hbm>>
        %dma_wait3A_594 = tpu.memref_squeeze %dma_wait3A_593 : memref<1x1x1x8x128xf32, #tpu.memory_space<hbm>> -> memref<8x128xf32, #tpu.memory_space<hbm>>
        %dma_wait3A_595 = arith.constant 0 : i32
        %dma_wait3A_596 = arith.constant 0 : i32
        %dma_wait3A_597 = tpu.memref_slice %arg9[%dma_wait3A_595, %dma_wait3A_596] : memref<64x136xf32, #tpu.memory_space<vmem>> -> memref<8x128xf32, #tpu.memory_space<vmem>>
        tpu.wait_dma2 semaphore(%arg13 : memref<!tpu.dma_semaphore, #tpu.memory_space<semaphore_mem>>) src(%dma_wait3A_597 : memref<8x128xf32, #tpu.memory_space<vmem>>) dst(%dma_wait3A_594 : memref<8x128xf32, #tpu.memory_space<hbm>>)
        %dma_wait3A_598 = arith.constant 0 : i32
        %dma_wait3A_599 = arith.constant 1 : i32
        %dma_wait3A_600 = arith.constant 0 : i32
        %dma_wait3A_601 = arith.constant 8 : i32
        %dma_wait3A_602 = arith.constant 0 : i32
        %dma_wait3A_603 = tpu.memref_slice %arg9[%dma_wait3A_601, %dma_wait3A_602] : memref<64x136xf32, #tpu.memory_space<vmem>> -> memref<8x128xf32, #tpu.memory_space<vmem>>
        %dma_wait3A_604 = arith.constant 0 : i32
        %dma_wait3A_605 = arith.constant 0 : i32
        %dma_wait3A_606 = tpu.memref_slice %arg4[%dma_wait3A_598, %dma_wait3A_599, %dma_wait3A_600, %dma_wait3A_604, %dma_wait3A_605] : memref<50x8x32x8x128xf32, #tpu.memory_space<hbm>> -> memref<1x1x1x8x128xf32, #tpu.memory_space<hbm>>
        %dma_wait3A_607 = tpu.memref_squeeze %dma_wait3A_606 : memref<1x1x1x8x128xf32, #tpu.memory_space<hbm>> -> memref<8x128xf32, #tpu.memory_space<hbm>>
        %dma_wait3A_608 = arith.constant 0 : i32
        %dma_wait3A_609 = arith.constant 0 : i32
        %dma_wait3A_610 = tpu.memref_slice %arg4[%dma_wait3A_598, %dma_wait3A_599, %dma_wait3A_600, %dma_wait3A_608, %dma_wait3A_609] : memref<50x8x32x8x128xf32, #tpu.memory_space<hbm>> -> memref<1x1x1x8x128xf32, #tpu.memory_space<hbm>>
        %dma_wait3A_611 = tpu.memref_squeeze %dma_wait3A_610 : memref<1x1x1x8x128xf32, #tpu.memory_space<hbm>> -> memref<8x128xf32, #tpu.memory_space<hbm>>
        %dma_wait3A_612 = arith.constant 8 : i32
        %dma_wait3A_613 = arith.constant 0 : i32
        %dma_wait3A_614 = tpu.memref_slice %arg9[%dma_wait3A_612, %dma_wait3A_613] : memref<64x136xf32, #tpu.memory_space<vmem>> -> memref<8x128xf32, #tpu.memory_space<vmem>>
        tpu.wait_dma2 semaphore(%arg13 : memref<!tpu.dma_semaphore, #tpu.memory_space<semaphore_mem>>) src(%dma_wait3A_614 : memref<8x128xf32, #tpu.memory_space<vmem>>) dst(%dma_wait3A_611 : memref<8x128xf32, #tpu.memory_space<hbm>>)
        %dma_wait3A_615 = arith.constant 0 : i32
        %dma_wait3A_616 = arith.constant 2 : i32
        %dma_wait3A_617 = arith.constant 0 : i32
        %dma_wait3A_618 = arith.constant 16 : i32
        %dma_wait3A_619 = arith.constant 0 : i32
        %dma_wait3A_620 = tpu.memref_slice %arg9[%dma_wait3A_618, %dma_wait3A_619] : memref<64x136xf32, #tpu.memory_space<vmem>> -> memref<8x128xf32, #tpu.memory_space<vmem>>
        %dma_wait3A_621 = arith.constant 0 : i32
        %dma_wait3A_622 = arith.constant 0 : i32
        %dma_wait3A_623 = tpu.memref_slice %arg4[%dma_wait3A_615, %dma_wait3A_616, %dma_wait3A_617, %dma_wait3A_621, %dma_wait3A_622] : memref<50x8x32x8x128xf32, #tpu.memory_space<hbm>> -> memref<1x1x1x8x128xf32, #tpu.memory_space<hbm>>
        %dma_wait3A_624 = tpu.memref_squeeze %dma_wait3A_623 : memref<1x1x1x8x128xf32, #tpu.memory_space<hbm>> -> memref<8x128xf32, #tpu.memory_space<hbm>>
        %dma_wait3A_625 = arith.constant 0 : i32
        %dma_wait3A_626 = arith.constant 0 : i32
        %dma_wait3A_627 = tpu.memref_slice %arg4[%dma_wait3A_615, %dma_wait3A_616, %dma_wait3A_617, %dma_wait3A_625, %dma_wait3A_626] : memref<50x8x32x8x128xf32, #tpu.memory_space<hbm>> -> memref<1x1x1x8x128xf32, #tpu.memory_space<hbm>>
        %dma_wait3A_628 = tpu.memref_squeeze %dma_wait3A_627 : memref<1x1x1x8x128xf32, #tpu.memory_space<hbm>> -> memref<8x128xf32, #tpu.memory_space<hbm>>
        %dma_wait3A_629 = arith.constant 16 : i32
        %dma_wait3A_630 = arith.constant 0 : i32
        %dma_wait3A_631 = tpu.memref_slice %arg9[%dma_wait3A_629, %dma_wait3A_630] : memref<64x136xf32, #tpu.memory_space<vmem>> -> memref<8x128xf32, #tpu.memory_space<vmem>>
        tpu.wait_dma2 semaphore(%arg13 : memref<!tpu.dma_semaphore, #tpu.memory_space<semaphore_mem>>) src(%dma_wait3A_631 : memref<8x128xf32, #tpu.memory_space<vmem>>) dst(%dma_wait3A_628 : memref<8x128xf32, #tpu.memory_space<hbm>>)
        %dma_wait3A_632 = arith.constant 0 : i32
        %dma_wait3A_633 = arith.constant 3 : i32
        %dma_wait3A_634 = arith.constant 0 : i32
        %dma_wait3A_635 = arith.constant 24 : i32
        %dma_wait3A_636 = arith.constant 0 : i32
        %dma_wait3A_637 = tpu.memref_slice %arg9[%dma_wait3A_635, %dma_wait3A_636] : memref<64x136xf32, #tpu.memory_space<vmem>> -> memref<8x128xf32, #tpu.memory_space<vmem>>
        %dma_wait3A_638 = arith.constant 0 : i32
        %dma_wait3A_639 = arith.constant 0 : i32
        %dma_wait3A_640 = tpu.memref_slice %arg4[%dma_wait3A_632, %dma_wait3A_633, %dma_wait3A_634, %dma_wait3A_638, %dma_wait3A_639] : memref<50x8x32x8x128xf32, #tpu.memory_space<hbm>> -> memref<1x1x1x8x128xf32, #tpu.memory_space<hbm>>
        %dma_wait3A_641 = tpu.memref_squeeze %dma_wait3A_640 : memref<1x1x1x8x128xf32, #tpu.memory_space<hbm>> -> memref<8x128xf32, #tpu.memory_space<hbm>>
        %dma_wait3A_642 = arith.constant 0 : i32
        %dma_wait3A_643 = arith.constant 0 : i32
        %dma_wait3A_644 = tpu.memref_slice %arg4[%dma_wait3A_632, %dma_wait3A_633, %dma_wait3A_634, %dma_wait3A_642, %dma_wait3A_643] : memref<50x8x32x8x128xf32, #tpu.memory_space<hbm>> -> memref<1x1x1x8x128xf32, #tpu.memory_space<hbm>>
        %dma_wait3A_645 = tpu.memref_squeeze %dma_wait3A_644 : memref<1x1x1x8x128xf32, #tpu.memory_space<hbm>> -> memref<8x128xf32, #tpu.memory_space<hbm>>
        %dma_wait3A_646 = arith.constant 24 : i32
        %dma_wait3A_647 = arith.constant 0 : i32
        %dma_wait3A_648 = tpu.memref_slice %arg9[%dma_wait3A_646, %dma_wait3A_647] : memref<64x136xf32, #tpu.memory_space<vmem>> -> memref<8x128xf32, #tpu.memory_space<vmem>>
        tpu.wait_dma2 semaphore(%arg13 : memref<!tpu.dma_semaphore, #tpu.memory_space<semaphore_mem>>) src(%dma_wait3A_648 : memref<8x128xf32, #tpu.memory_space<vmem>>) dst(%dma_wait3A_645 : memref<8x128xf32, #tpu.memory_space<hbm>>)
        %dma_wait3A_649 = arith.constant 0 : i32
        %dma_wait3A_650 = arith.constant 4 : i32
        %dma_wait3A_651 = arith.constant 0 : i32
        %dma_wait3A_652 = arith.constant 32 : i32
        %dma_wait3A_653 = arith.constant 0 : i32
        %dma_wait3A_654 = tpu.memref_slice %arg9[%dma_wait3A_652, %dma_wait3A_653] : memref<64x136xf32, #tpu.memory_space<vmem>> -> memref<8x128xf32, #tpu.memory_space<vmem>>
        %dma_wait3A_655 = arith.constant 0 : i32
        %dma_wait3A_656 = arith.constant 0 : i32
        %dma_wait3A_657 = tpu.memref_slice %arg4[%dma_wait3A_649, %dma_wait3A_650, %dma_wait3A_651, %dma_wait3A_655, %dma_wait3A_656] : memref<50x8x32x8x128xf32, #tpu.memory_space<hbm>> -> memref<1x1x1x8x128xf32, #tpu.memory_space<hbm>>
        %dma_wait3A_658 = tpu.memref_squeeze %dma_wait3A_657 : memref<1x1x1x8x128xf32, #tpu.memory_space<hbm>> -> memref<8x128xf32, #tpu.memory_space<hbm>>
        %dma_wait3A_659 = arith.constant 0 : i32
        %dma_wait3A_660 = arith.constant 0 : i32
        %dma_wait3A_661 = tpu.memref_slice %arg4[%dma_wait3A_649, %dma_wait3A_650, %dma_wait3A_651, %dma_wait3A_659, %dma_wait3A_660] : memref<50x8x32x8x128xf32, #tpu.memory_space<hbm>> -> memref<1x1x1x8x128xf32, #tpu.memory_space<hbm>>
        %dma_wait3A_662 = tpu.memref_squeeze %dma_wait3A_661 : memref<1x1x1x8x128xf32, #tpu.memory_space<hbm>> -> memref<8x128xf32, #tpu.memory_space<hbm>>
        %dma_wait3A_663 = arith.constant 32 : i32
        %dma_wait3A_664 = arith.constant 0 : i32
        %dma_wait3A_665 = tpu.memref_slice %arg9[%dma_wait3A_663, %dma_wait3A_664] : memref<64x136xf32, #tpu.memory_space<vmem>> -> memref<8x128xf32, #tpu.memory_space<vmem>>
        tpu.wait_dma2 semaphore(%arg13 : memref<!tpu.dma_semaphore, #tpu.memory_space<semaphore_mem>>) src(%dma_wait3A_665 : memref<8x128xf32, #tpu.memory_space<vmem>>) dst(%dma_wait3A_662 : memref<8x128xf32, #tpu.memory_space<hbm>>)
        %dma_wait3A_666 = arith.constant 0 : i32
        %dma_wait3A_667 = arith.constant 5 : i32
        %dma_wait3A_668 = arith.constant 0 : i32
        %dma_wait3A_669 = arith.constant 40 : i32
        %dma_wait3A_670 = arith.constant 0 : i32
        %dma_wait3A_671 = tpu.memref_slice %arg9[%dma_wait3A_669, %dma_wait3A_670] : memref<64x136xf32, #tpu.memory_space<vmem>> -> memref<8x128xf32, #tpu.memory_space<vmem>>
        %dma_wait3A_672 = arith.constant 0 : i32
        %dma_wait3A_673 = arith.constant 0 : i32
        %dma_wait3A_674 = tpu.memref_slice %arg4[%dma_wait3A_666, %dma_wait3A_667, %dma_wait3A_668, %dma_wait3A_672, %dma_wait3A_673] : memref<50x8x32x8x128xf32, #tpu.memory_space<hbm>> -> memref<1x1x1x8x128xf32, #tpu.memory_space<hbm>>
        %dma_wait3A_675 = tpu.memref_squeeze %dma_wait3A_674 : memref<1x1x1x8x128xf32, #tpu.memory_space<hbm>> -> memref<8x128xf32, #tpu.memory_space<hbm>>
        %dma_wait3A_676 = arith.constant 0 : i32
        %dma_wait3A_677 = arith.constant 0 : i32
        %dma_wait3A_678 = tpu.memref_slice %arg4[%dma_wait3A_666, %dma_wait3A_667, %dma_wait3A_668, %dma_wait3A_676, %dma_wait3A_677] : memref<50x8x32x8x128xf32, #tpu.memory_space<hbm>> -> memref<1x1x1x8x128xf32, #tpu.memory_space<hbm>>
        %dma_wait3A_679 = tpu.memref_squeeze %dma_wait3A_678 : memref<1x1x1x8x128xf32, #tpu.memory_space<hbm>> -> memref<8x128xf32, #tpu.memory_space<hbm>>
        %dma_wait3A_680 = arith.constant 40 : i32
        %dma_wait3A_681 = arith.constant 0 : i32
        %dma_wait3A_682 = tpu.memref_slice %arg9[%dma_wait3A_680, %dma_wait3A_681] : memref<64x136xf32, #tpu.memory_space<vmem>> -> memref<8x128xf32, #tpu.memory_space<vmem>>
        tpu.wait_dma2 semaphore(%arg13 : memref<!tpu.dma_semaphore, #tpu.memory_space<semaphore_mem>>) src(%dma_wait3A_682 : memref<8x128xf32, #tpu.memory_space<vmem>>) dst(%dma_wait3A_679 : memref<8x128xf32, #tpu.memory_space<hbm>>)
        %dma_wait3A_683 = arith.constant 0 : i32
        %dma_wait3A_684 = arith.constant 6 : i32
        %dma_wait3A_685 = arith.constant 0 : i32
        %dma_wait3A_686 = arith.constant 48 : i32
        %dma_wait3A_687 = arith.constant 0 : i32
        %dma_wait3A_688 = tpu.memref_slice %arg9[%dma_wait3A_686, %dma_wait3A_687] : memref<64x136xf32, #tpu.memory_space<vmem>> -> memref<8x128xf32, #tpu.memory_space<vmem>>
        %dma_wait3A_689 = arith.constant 0 : i32
        %dma_wait3A_690 = arith.constant 0 : i32
        %dma_wait3A_691 = tpu.memref_slice %arg4[%dma_wait3A_683, %dma_wait3A_684, %dma_wait3A_685, %dma_wait3A_689, %dma_wait3A_690] : memref<50x8x32x8x128xf32, #tpu.memory_space<hbm>> -> memref<1x1x1x8x128xf32, #tpu.memory_space<hbm>>
        %dma_wait3A_692 = tpu.memref_squeeze %dma_wait3A_691 : memref<1x1x1x8x128xf32, #tpu.memory_space<hbm>> -> memref<8x128xf32, #tpu.memory_space<hbm>>
        %dma_wait3A_693 = arith.constant 0 : i32
        %dma_wait3A_694 = arith.constant 0 : i32
        %dma_wait3A_695 = tpu.memref_slice %arg4[%dma_wait3A_683, %dma_wait3A_684, %dma_wait3A_685, %dma_wait3A_693, %dma_wait3A_694] : memref<50x8x32x8x128xf32, #tpu.memory_space<hbm>> -> memref<1x1x1x8x128xf32, #tpu.memory_space<hbm>>
        %dma_wait3A_696 = tpu.memref_squeeze %dma_wait3A_695 : memref<1x1x1x8x128xf32, #tpu.memory_space<hbm>> -> memref<8x128xf32, #tpu.memory_space<hbm>>
        %dma_wait3A_697 = arith.constant 48 : i32
        %dma_wait3A_698 = arith.constant 0 : i32
        %dma_wait3A_699 = tpu.memref_slice %arg9[%dma_wait3A_697, %dma_wait3A_698] : memref<64x136xf32, #tpu.memory_space<vmem>> -> memref<8x128xf32, #tpu.memory_space<vmem>>
        tpu.wait_dma2 semaphore(%arg13 : memref<!tpu.dma_semaphore, #tpu.memory_space<semaphore_mem>>) src(%dma_wait3A_699 : memref<8x128xf32, #tpu.memory_space<vmem>>) dst(%dma_wait3A_696 : memref<8x128xf32, #tpu.memory_space<hbm>>)
        %dma_wait3A_700 = arith.constant 0 : i32
        %dma_wait3A_701 = arith.constant 7 : i32
        %dma_wait3A_702 = arith.constant 0 : i32
        %dma_wait3A_703 = arith.constant 56 : i32
        %dma_wait3A_704 = arith.constant 0 : i32
        %dma_wait3A_705 = tpu.memref_slice %arg9[%dma_wait3A_703, %dma_wait3A_704] : memref<64x136xf32, #tpu.memory_space<vmem>> -> memref<8x128xf32, #tpu.memory_space<vmem>>
        %dma_wait3A_706 = arith.constant 0 : i32
        %dma_wait3A_707 = arith.constant 0 : i32
        %dma_wait3A_708 = tpu.memref_slice %arg4[%dma_wait3A_700, %dma_wait3A_701, %dma_wait3A_702, %dma_wait3A_706, %dma_wait3A_707] : memref<50x8x32x8x128xf32, #tpu.memory_space<hbm>> -> memref<1x1x1x8x128xf32, #tpu.memory_space<hbm>>
        %dma_wait3A_709 = tpu.memref_squeeze %dma_wait3A_708 : memref<1x1x1x8x128xf32, #tpu.memory_space<hbm>> -> memref<8x128xf32, #tpu.memory_space<hbm>>
        %dma_wait3A_710 = arith.constant 0 : i32
        %dma_wait3A_711 = arith.constant 0 : i32
        %dma_wait3A_712 = tpu.memref_slice %arg4[%dma_wait3A_700, %dma_wait3A_701, %dma_wait3A_702, %dma_wait3A_710, %dma_wait3A_711] : memref<50x8x32x8x128xf32, #tpu.memory_space<hbm>> -> memref<1x1x1x8x128xf32, #tpu.memory_space<hbm>>
        %dma_wait3A_713 = tpu.memref_squeeze %dma_wait3A_712 : memref<1x1x1x8x128xf32, #tpu.memory_space<hbm>> -> memref<8x128xf32, #tpu.memory_space<hbm>>
        %dma_wait3A_714 = arith.constant 56 : i32
        %dma_wait3A_715 = arith.constant 0 : i32
        %dma_wait3A_716 = tpu.memref_slice %arg9[%dma_wait3A_714, %dma_wait3A_715] : memref<64x136xf32, #tpu.memory_space<vmem>> -> memref<8x128xf32, #tpu.memory_space<vmem>>
        tpu.wait_dma2 semaphore(%arg13 : memref<!tpu.dma_semaphore, #tpu.memory_space<semaphore_mem>>) src(%dma_wait3A_716 : memref<8x128xf32, #tpu.memory_space<vmem>>) dst(%dma_wait3A_713 : memref<8x128xf32, #tpu.memory_space<hbm>>)
      } else {
      }
      %parallel_loop3A_458 = arith.constant 0 : i32
      %parallel_loop3A_459 = arith.constant 128 : i32
      %parallel_loop3A_460 = arith.constant 1 : i32
      scf.for %parallel_loop3A_581 = %parallel_loop3A_458 to %parallel_loop3A_459 step %parallel_loop3A_460  : i32 {
        %parallel_loop3A_582 = arith.constant 0 : i32
        %parallel_loop3A_583 = vector.broadcast %parallel_loop3A_582 : i32 to vector<16xi32>
        %parallel_loop3A_584 = vector.broadcast %parallel_loop3A_581 : i32 to vector<16xi32>
        %parallel_loop3A_585 = arith.addi %parallel_loop3A_583, %parallel_loop3A_584 : vector<16xi32>
        %parallel_loop3A_586 = arith.index_cast %parallel_loop3A_581 : i32 to index
        %parallel_loop3A_587 = arith.constant 0 : index
        %parallel_loop3A_588 = tpu.vector_load %arg7[%parallel_loop3A_586, %parallel_loop3A_587] {strides = array<i32>} : memref<128x64xf32, #tpu.memory_space<vmem>>, vector<16xf32>,
        tpu.vector_store_idx %arg9[%add3A_3, %parallel_loop3A_585], %parallel_loop3A_588 : memref<64x136xf32, #tpu.memory_space<vmem>>[vector<16xi32>, vector<16xi32>], vector<16xf32>,
        %parallel_loop3A_589 = arith.index_cast %parallel_loop3A_581 : i32 to index
        %parallel_loop3A_590 = arith.constant 16 : index
        %parallel_loop3A_591 = tpu.vector_load %arg7[%parallel_loop3A_589, %parallel_loop3A_590] {strides = array<i32>} : memref<128x64xf32, #tpu.memory_space<vmem>>, vector<16xf32>,
        tpu.vector_store_idx %arg9[%add3A_6, %parallel_loop3A_585], %parallel_loop3A_591 : memref<64x136xf32, #tpu.memory_space<vmem>>[vector<16xi32>, vector<16xi32>], vector<16xf32>,
        %parallel_loop3A_592 = arith.index_cast %parallel_loop3A_581 : i32 to index
        %parallel_loop3A_593 = arith.constant 32 : index
        %parallel_loop3A_594 = tpu.vector_load %arg7[%parallel_loop3A_592, %parallel_loop3A_593] {strides = array<i32>} : memref<128x64xf32, #tpu.memory_space<vmem>>, vector<16xf32>,
        tpu.vector_store_idx %arg9[%add3A_9, %parallel_loop3A_585], %parallel_loop3A_594 : memref<64x136xf32, #tpu.memory_space<vmem>>[vector<16xi32>, vector<16xi32>], vector<16xf32>,
        %parallel_loop3A_595 = arith.index_cast %parallel_loop3A_581 : i32 to index
        %parallel_loop3A_596 = arith.constant 48 : index
        %parallel_loop3A_597 = tpu.vector_load %arg7[%parallel_loop3A_595, %parallel_loop3A_596] {strides = array<i32>} : memref<128x64xf32, #tpu.memory_space<vmem>>, vector<16xf32>,
        tpu.vector_store_idx %arg9[%add3A_12, %parallel_loop3A_585], %parallel_loop3A_597 : memref<64x136xf32, #tpu.memory_space<vmem>>[vector<16xi32>, vector<16xi32>], vector<16xf32>,
      } {sc.loop_unroll_factor = 8 : i64, sc.parallel_access}
      %dma_start3A_461 = arith.constant 0 : i32
      %dma_start3A_462 = arith.constant 0 : i32
      %dma_start3A_463 = arith.constant 0 : i32
      %dma_start3A_464 = tpu.memref_slice %arg9[%dma_start3A_462, %dma_start3A_463] : memref<64x136xf32, #tpu.memory_space<vmem>> -> memref<8x128xf32, #tpu.memory_space<vmem>>
      %dma_start3A_465 = arith.constant 0 : i32
      %dma_start3A_466 = arith.constant 0 : i32
      %dma_start3A_467 = tpu.memref_slice %arg4[%add3A_439, %dma_start3A_461, %add3A, %dma_start3A_465, %dma_start3A_466] : memref<50x8x32x8x128xf32, #tpu.memory_space<hbm>> -> memref<1x1x1x8x128xf32, #tpu.memory_space<hbm>>
      %dma_start3A_468 = tpu.memref_squeeze %dma_start3A_467 : memref<1x1x1x8x128xf32, #tpu.memory_space<hbm>> -> memref<8x128xf32, #tpu.memory_space<hbm>>
      %dma_start3A_469 = arith.constant 0 : i32
      %dma_start3A_470 = arith.constant 0 : i32
      %dma_start3A_471 = tpu.memref_slice %arg4[%add3A_439, %dma_start3A_461, %add3A, %dma_start3A_469, %dma_start3A_470] : memref<50x8x32x8x128xf32, #tpu.memory_space<hbm>> -> memref<1x1x1x8x128xf32, #tpu.memory_space<hbm>>
      %dma_start3A_472 = tpu.memref_squeeze %dma_start3A_471 : memref<1x1x1x8x128xf32, #tpu.memory_space<hbm>> -> memref<8x128xf32, #tpu.memory_space<hbm>>
      %dma_start3A_473 = arith.constant 0 : i32
      %dma_start3A_474 = arith.constant 0 : i32
      %dma_start3A_475 = tpu.memref_slice %arg9[%dma_start3A_473, %dma_start3A_474] : memref<64x136xf32, #tpu.memory_space<vmem>> -> memref<8x128xf32, #tpu.memory_space<vmem>>
      tpu.enqueue_dma source(%dma_start3A_475 : memref<8x128xf32, #tpu.memory_space<vmem>>) target(%dma_start3A_472 : memref<8x128xf32, #tpu.memory_space<hbm>>) target_semaphore(%arg13 : memref<!tpu.dma_semaphore, #tpu.memory_space<semaphore_mem>>)
      %dma_start3A_476 = arith.constant 1 : i32
      %dma_start3A_477 = arith.constant 8 : i32
      %dma_start3A_478 = arith.constant 0 : i32
      %dma_start3A_479 = tpu.memref_slice %arg9[%dma_start3A_477, %dma_start3A_478] : memref<64x136xf32, #tpu.memory_space<vmem>> -> memref<8x128xf32, #tpu.memory_space<vmem>>
      %dma_start3A_480 = arith.constant 0 : i32
      %dma_start3A_481 = arith.constant 0 : i32
      %dma_start3A_482 = tpu.memref_slice %arg4[%add3A_439, %dma_start3A_476, %add3A, %dma_start3A_480, %dma_start3A_481] : memref<50x8x32x8x128xf32, #tpu.memory_space<hbm>> -> memref<1x1x1x8x128xf32, #tpu.memory_space<hbm>>
      %dma_start3A_483 = tpu.memref_squeeze %dma_start3A_482 : memref<1x1x1x8x128xf32, #tpu.memory_space<hbm>> -> memref<8x128xf32, #tpu.memory_space<hbm>>
      %dma_start3A_484 = arith.constant 0 : i32
      %dma_start3A_485 = arith.constant 0 : i32
      %dma_start3A_486 = tpu.memref_slice %arg4[%add3A_439, %dma_start3A_476, %add3A, %dma_start3A_484, %dma_start3A_485] : memref<50x8x32x8x128xf32, #tpu.memory_space<hbm>> -> memref<1x1x1x8x128xf32, #tpu.memory_space<hbm>>
      %dma_start3A_487 = tpu.memref_squeeze %dma_start3A_486 : memref<1x1x1x8x128xf32, #tpu.memory_space<hbm>> -> memref<8x128xf32, #tpu.memory_space<hbm>>
      %dma_start3A_488 = arith.constant 8 : i32
      %dma_start3A_489 = arith.constant 0 : i32
      %dma_start3A_490 = tpu.memref_slice %arg9[%dma_start3A_488, %dma_start3A_489] : memref<64x136xf32, #tpu.memory_space<vmem>> -> memref<8x128xf32, #tpu.memory_space<vmem>>
      tpu.enqueue_dma source(%dma_start3A_490 : memref<8x128xf32, #tpu.memory_space<vmem>>) target(%dma_start3A_487 : memref<8x128xf32, #tpu.memory_space<hbm>>) target_semaphore(%arg13 : memref<!tpu.dma_semaphore, #tpu.memory_space<semaphore_mem>>)
      %dma_start3A_491 = arith.constant 2 : i32
      %dma_start3A_492 = arith.constant 16 : i32
      %dma_start3A_493 = arith.constant 0 : i32
      %dma_start3A_494 = tpu.memref_slice %arg9[%dma_start3A_492, %dma_start3A_493] : memref<64x136xf32, #tpu.memory_space<vmem>> -> memref<8x128xf32, #tpu.memory_space<vmem>>
      %dma_start3A_495 = arith.constant 0 : i32
      %dma_start3A_496 = arith.constant 0 : i32
      %dma_start3A_497 = tpu.memref_slice %arg4[%add3A_439, %dma_start3A_491, %add3A, %dma_start3A_495, %dma_start3A_496] : memref<50x8x32x8x128xf32, #tpu.memory_space<hbm>> -> memref<1x1x1x8x128xf32, #tpu.memory_space<hbm>>
      %dma_start3A_498 = tpu.memref_squeeze %dma_start3A_497 : memref<1x1x1x8x128xf32, #tpu.memory_space<hbm>> -> memref<8x128xf32, #tpu.memory_space<hbm>>
      %dma_start3A_499 = arith.constant 0 : i32
      %dma_start3A_500 = arith.constant 0 : i32
      %dma_start3A_501 = tpu.memref_slice %arg4[%add3A_439, %dma_start3A_491, %add3A, %dma_start3A_499, %dma_start3A_500] : memref<50x8x32x8x128xf32, #tpu.memory_space<hbm>> -> memref<1x1x1x8x128xf32, #tpu.memory_space<hbm>>
      %dma_start3A_502 = tpu.memref_squeeze %dma_start3A_501 : memref<1x1x1x8x128xf32, #tpu.memory_space<hbm>> -> memref<8x128xf32, #tpu.memory_space<hbm>>
      %dma_start3A_503 = arith.constant 16 : i32
      %dma_start3A_504 = arith.constant 0 : i32
      %dma_start3A_505 = tpu.memref_slice %arg9[%dma_start3A_503, %dma_start3A_504] : memref<64x136xf32, #tpu.memory_space<vmem>> -> memref<8x128xf32, #tpu.memory_space<vmem>>
      tpu.enqueue_dma source(%dma_start3A_505 : memref<8x128xf32, #tpu.memory_space<vmem>>) target(%dma_start3A_502 : memref<8x128xf32, #tpu.memory_space<hbm>>) target_semaphore(%arg13 : memref<!tpu.dma_semaphore, #tpu.memory_space<semaphore_mem>>)
      %dma_start3A_506 = arith.constant 3 : i32
      %dma_start3A_507 = arith.constant 24 : i32
      %dma_start3A_508 = arith.constant 0 : i32
      %dma_start3A_509 = tpu.memref_slice %arg9[%dma_start3A_507, %dma_start3A_508] : memref<64x136xf32, #tpu.memory_space<vmem>> -> memref<8x128xf32, #tpu.memory_space<vmem>>
      %dma_start3A_510 = arith.constant 0 : i32
      %dma_start3A_511 = arith.constant 0 : i32
      %dma_start3A_512 = tpu.memref_slice %arg4[%add3A_439, %dma_start3A_506, %add3A, %dma_start3A_510, %dma_start3A_511] : memref<50x8x32x8x128xf32, #tpu.memory_space<hbm>> -> memref<1x1x1x8x128xf32, #tpu.memory_space<hbm>>
      %dma_start3A_513 = tpu.memref_squeeze %dma_start3A_512 : memref<1x1x1x8x128xf32, #tpu.memory_space<hbm>> -> memref<8x128xf32, #tpu.memory_space<hbm>>
      %dma_start3A_514 = arith.constant 0 : i32
      %dma_start3A_515 = arith.constant 0 : i32
      %dma_start3A_516 = tpu.memref_slice %arg4[%add3A_439, %dma_start3A_506, %add3A, %dma_start3A_514, %dma_start3A_515] : memref<50x8x32x8x128xf32, #tpu.memory_space<hbm>> -> memref<1x1x1x8x128xf32, #tpu.memory_space<hbm>>
      %dma_start3A_517 = tpu.memref_squeeze %dma_start3A_516 : memref<1x1x1x8x128xf32, #tpu.memory_space<hbm>> -> memref<8x128xf32, #tpu.memory_space<hbm>>
      %dma_start3A_518 = arith.constant 24 : i32
      %dma_start3A_519 = arith.constant 0 : i32
      %dma_start3A_520 = tpu.memref_slice %arg9[%dma_start3A_518, %dma_start3A_519] : memref<64x136xf32, #tpu.memory_space<vmem>> -> memref<8x128xf32, #tpu.memory_space<vmem>>
      tpu.enqueue_dma source(%dma_start3A_520 : memref<8x128xf32, #tpu.memory_space<vmem>>) target(%dma_start3A_517 : memref<8x128xf32, #tpu.memory_space<hbm>>) target_semaphore(%arg13 : memref<!tpu.dma_semaphore, #tpu.memory_space<semaphore_mem>>)
      %dma_start3A_521 = arith.constant 4 : i32
      %dma_start3A_522 = arith.constant 32 : i32
      %dma_start3A_523 = arith.constant 0 : i32
      %dma_start3A_524 = tpu.memref_slice %arg9[%dma_start3A_522, %dma_start3A_523] : memref<64x136xf32, #tpu.memory_space<vmem>> -> memref<8x128xf32, #tpu.memory_space<vmem>>
      %dma_start3A_525 = arith.constant 0 : i32
      %dma_start3A_526 = arith.constant 0 : i32
      %dma_start3A_527 = tpu.memref_slice %arg4[%add3A_439, %dma_start3A_521, %add3A, %dma_start3A_525, %dma_start3A_526] : memref<50x8x32x8x128xf32, #tpu.memory_space<hbm>> -> memref<1x1x1x8x128xf32, #tpu.memory_space<hbm>>
      %dma_start3A_528 = tpu.memref_squeeze %dma_start3A_527 : memref<1x1x1x8x128xf32, #tpu.memory_space<hbm>> -> memref<8x128xf32, #tpu.memory_space<hbm>>
      %dma_start3A_529 = arith.constant 0 : i32
      %dma_start3A_530 = arith.constant 0 : i32
      %dma_start3A_531 = tpu.memref_slice %arg4[%add3A_439, %dma_start3A_521, %add3A, %dma_start3A_529, %dma_start3A_530] : memref<50x8x32x8x128xf32, #tpu.memory_space<hbm>> -> memref<1x1x1x8x128xf32, #tpu.memory_space<hbm>>
      %dma_start3A_532 = tpu.memref_squeeze %dma_start3A_531 : memref<1x1x1x8x128xf32, #tpu.memory_space<hbm>> -> memref<8x128xf32, #tpu.memory_space<hbm>>
      %dma_start3A_533 = arith.constant 32 : i32
      %dma_start3A_534 = arith.constant 0 : i32
      %dma_start3A_535 = tpu.memref_slice %arg9[%dma_start3A_533, %dma_start3A_534] : memref<64x136xf32, #tpu.memory_space<vmem>> -> memref<8x128xf32, #tpu.memory_space<vmem>>
      tpu.enqueue_dma source(%dma_start3A_535 : memref<8x128xf32, #tpu.memory_space<vmem>>) target(%dma_start3A_532 : memref<8x128xf32, #tpu.memory_space<hbm>>) target_semaphore(%arg13 : memref<!tpu.dma_semaphore, #tpu.memory_space<semaphore_mem>>)
      %dma_start3A_536 = arith.constant 5 : i32
      %dma_start3A_537 = arith.constant 40 : i32
      %dma_start3A_538 = arith.constant 0 : i32
      %dma_start3A_539 = tpu.memref_slice %arg9[%dma_start3A_537, %dma_start3A_538] : memref<64x136xf32, #tpu.memory_space<vmem>> -> memref<8x128xf32, #tpu.memory_space<vmem>>
      %dma_start3A_540 = arith.constant 0 : i32
      %dma_start3A_541 = arith.constant 0 : i32
      %dma_start3A_542 = tpu.memref_slice %arg4[%add3A_439, %dma_start3A_536, %add3A, %dma_start3A_540, %dma_start3A_541] : memref<50x8x32x8x128xf32, #tpu.memory_space<hbm>> -> memref<1x1x1x8x128xf32, #tpu.memory_space<hbm>>
      %dma_start3A_543 = tpu.memref_squeeze %dma_start3A_542 : memref<1x1x1x8x128xf32, #tpu.memory_space<hbm>> -> memref<8x128xf32, #tpu.memory_space<hbm>>
      %dma_start3A_544 = arith.constant 0 : i32
      %dma_start3A_545 = arith.constant 0 : i32
      %dma_start3A_546 = tpu.memref_slice %arg4[%add3A_439, %dma_start3A_536, %add3A, %dma_start3A_544, %dma_start3A_545] : memref<50x8x32x8x128xf32, #tpu.memory_space<hbm>> -> memref<1x1x1x8x128xf32, #tpu.memory_space<hbm>>
      %dma_start3A_547 = tpu.memref_squeeze %dma_start3A_546 : memref<1x1x1x8x128xf32, #tpu.memory_space<hbm>> -> memref<8x128xf32, #tpu.memory_space<hbm>>
      %dma_start3A_548 = arith.constant 40 : i32
      %dma_start3A_549 = arith.constant 0 : i32
      %dma_start3A_550 = tpu.memref_slice %arg9[%dma_start3A_548, %dma_start3A_549] : memref<64x136xf32, #tpu.memory_space<vmem>> -> memref<8x128xf32, #tpu.memory_space<vmem>>
      tpu.enqueue_dma source(%dma_start3A_550 : memref<8x128xf32, #tpu.memory_space<vmem>>) target(%dma_start3A_547 : memref<8x128xf32, #tpu.memory_space<hbm>>) target_semaphore(%arg13 : memref<!tpu.dma_semaphore, #tpu.memory_space<semaphore_mem>>)
      %dma_start3A_551 = arith.constant 6 : i32
      %dma_start3A_552 = arith.constant 48 : i32
      %dma_start3A_553 = arith.constant 0 : i32
      %dma_start3A_554 = tpu.memref_slice %arg9[%dma_start3A_552, %dma_start3A_553] : memref<64x136xf32, #tpu.memory_space<vmem>> -> memref<8x128xf32, #tpu.memory_space<vmem>>
      %dma_start3A_555 = arith.constant 0 : i32
      %dma_start3A_556 = arith.constant 0 : i32
      %dma_start3A_557 = tpu.memref_slice %arg4[%add3A_439, %dma_start3A_551, %add3A, %dma_start3A_555, %dma_start3A_556] : memref<50x8x32x8x128xf32, #tpu.memory_space<hbm>> -> memref<1x1x1x8x128xf32, #tpu.memory_space<hbm>>
      %dma_start3A_558 = tpu.memref_squeeze %dma_start3A_557 : memref<1x1x1x8x128xf32, #tpu.memory_space<hbm>> -> memref<8x128xf32, #tpu.memory_space<hbm>>
      %dma_start3A_559 = arith.constant 0 : i32
      %dma_start3A_560 = arith.constant 0 : i32
      %dma_start3A_561 = tpu.memref_slice %arg4[%add3A_439, %dma_start3A_551, %add3A, %dma_start3A_559, %dma_start3A_560] : memref<50x8x32x8x128xf32, #tpu.memory_space<hbm>> -> memref<1x1x1x8x128xf32, #tpu.memory_space<hbm>>
      %dma_start3A_562 = tpu.memref_squeeze %dma_start3A_561 : memref<1x1x1x8x128xf32, #tpu.memory_space<hbm>> -> memref<8x128xf32, #tpu.memory_space<hbm>>
      %dma_start3A_563 = arith.constant 48 : i32
      %dma_start3A_564 = arith.constant 0 : i32
      %dma_start3A_565 = tpu.memref_slice %arg9[%dma_start3A_563, %dma_start3A_564] : memref<64x136xf32, #tpu.memory_space<vmem>> -> memref<8x128xf32, #tpu.memory_space<vmem>>
      tpu.enqueue_dma source(%dma_start3A_565 : memref<8x128xf32, #tpu.memory_space<vmem>>) target(%dma_start3A_562 : memref<8x128xf32, #tpu.memory_space<hbm>>) target_semaphore(%arg13 : memref<!tpu.dma_semaphore, #tpu.memory_space<semaphore_mem>>)
      %dma_start3A_566 = arith.constant 7 : i32
      %dma_start3A_567 = arith.constant 56 : i32
      %dma_start3A_568 = arith.constant 0 : i32
      %dma_start3A_569 = tpu.memref_slice %arg9[%dma_start3A_567, %dma_start3A_568] : memref<64x136xf32, #tpu.memory_space<vmem>> -> memref<8x128xf32, #tpu.memory_space<vmem>>
      %dma_start3A_570 = arith.constant 0 : i32
      %dma_start3A_571 = arith.constant 0 : i32
      %dma_start3A_572 = tpu.memref_slice %arg4[%add3A_439, %dma_start3A_566, %add3A, %dma_start3A_570, %dma_start3A_571] : memref<50x8x32x8x128xf32, #tpu.memory_space<hbm>> -> memref<1x1x1x8x128xf32, #tpu.memory_space<hbm>>
      %dma_start3A_573 = tpu.memref_squeeze %dma_start3A_572 : memref<1x1x1x8x128xf32, #tpu.memory_space<hbm>> -> memref<8x128xf32, #tpu.memory_space<hbm>>
      %dma_start3A_574 = arith.constant 0 : i32
      %dma_start3A_575 = arith.constant 0 : i32
      %dma_start3A_576 = tpu.memref_slice %arg4[%add3A_439, %dma_start3A_566, %add3A, %dma_start3A_574, %dma_start3A_575] : memref<50x8x32x8x128xf32, #tpu.memory_space<hbm>> -> memref<1x1x1x8x128xf32, #tpu.memory_space<hbm>>
      %dma_start3A_577 = tpu.memref_squeeze %dma_start3A_576 : memref<1x1x1x8x128xf32, #tpu.memory_space<hbm>> -> memref<8x128xf32, #tpu.memory_space<hbm>>
      %dma_start3A_578 = arith.constant 56 : i32
      %dma_start3A_579 = arith.constant 0 : i32
      %dma_start3A_580 = tpu.memref_slice %arg9[%dma_start3A_578, %dma_start3A_579] : memref<64x136xf32, #tpu.memory_space<vmem>> -> memref<8x128xf32, #tpu.memory_space<vmem>>
      tpu.enqueue_dma source(%dma_start3A_580 : memref<8x128xf32, #tpu.memory_space<vmem>>) target(%dma_start3A_577 : memref<8x128xf32, #tpu.memory_space<hbm>>) target_semaphore(%arg13 : memref<!tpu.dma_semaphore, #tpu.memory_space<semaphore_mem>>)
    }
    %scan3A_23 = arith.constant 25 : i32
    %dma_wait3A = arith.constant 0 : i32
    %dma_wait3A_24 = arith.constant 0 : i32
    %dma_wait3A_25 = arith.constant 0 : i32
    %dma_wait3A_26 = arith.constant 0 : i32
    %dma_wait3A_27 = arith.constant 0 : i32
    %dma_wait3A_28 = tpu.memref_slice %arg8[%dma_wait3A_26, %dma_wait3A_27] : memref<64x136xf32, #tpu.memory_space<vmem>> -> memref<8x128xf32, #tpu.memory_space<vmem>>
    %dma_wait3A_29 = arith.constant 0 : i32
    %dma_wait3A_30 = arith.constant 0 : i32
    %dma_wait3A_31 = tpu.memref_slice %arg4[%dma_wait3A, %dma_wait3A_24, %dma_wait3A_25, %dma_wait3A_29, %dma_wait3A_30] : memref<50x8x32x8x128xf32, #tpu.memory_space<hbm>> -> memref<1x1x1x8x128xf32, #tpu.memory_space<hbm>>
    %dma_wait3A_32 = tpu.memref_squeeze %dma_wait3A_31 : memref<1x1x1x8x128xf32, #tpu.memory_space<hbm>> -> memref<8x128xf32, #tpu.memory_space<hbm>>
    %dma_wait3A_33 = arith.constant 0 : i32
    %dma_wait3A_34 = arith.constant 0 : i32
    %dma_wait3A_35 = tpu.memref_slice %arg4[%dma_wait3A, %dma_wait3A_24, %dma_wait3A_25, %dma_wait3A_33, %dma_wait3A_34] : memref<50x8x32x8x128xf32, #tpu.memory_space<hbm>> -> memref<1x1x1x8x128xf32, #tpu.memory_space<hbm>>
    %dma_wait3A_36 = tpu.memref_squeeze %dma_wait3A_35 : memref<1x1x1x8x128xf32, #tpu.memory_space<hbm>> -> memref<8x128xf32, #tpu.memory_space<hbm>>
    %dma_wait3A_37 = arith.constant 0 : i32
    %dma_wait3A_38 = arith.constant 0 : i32
    %dma_wait3A_39 = tpu.memref_slice %arg8[%dma_wait3A_37, %dma_wait3A_38] : memref<64x136xf32, #tpu.memory_space<vmem>> -> memref<8x128xf32, #tpu.memory_space<vmem>>
    tpu.wait_dma2 semaphore(%arg12 : memref<!tpu.dma_semaphore, #tpu.memory_space<semaphore_mem>>) src(%dma_wait3A_39 : memref<8x128xf32, #tpu.memory_space<vmem>>) dst(%dma_wait3A_36 : memref<8x128xf32, #tpu.memory_space<hbm>>)
    %dma_wait3A_40 = arith.constant 0 : i32
    %dma_wait3A_41 = arith.constant 1 : i32
    %dma_wait3A_42 = arith.constant 0 : i32
    %dma_wait3A_43 = arith.constant 8 : i32
    %dma_wait3A_44 = arith.constant 0 : i32
    %dma_wait3A_45 = tpu.memref_slice %arg8[%dma_wait3A_43, %dma_wait3A_44] : memref<64x136xf32, #tpu.memory_space<vmem>> -> memref<8x128xf32, #tpu.memory_space<vmem>>
    %dma_wait3A_46 = arith.constant 0 : i32
    %dma_wait3A_47 = arith.constant 0 : i32
    %dma_wait3A_48 = tpu.memref_slice %arg4[%dma_wait3A_40, %dma_wait3A_41, %dma_wait3A_42, %dma_wait3A_46, %dma_wait3A_47] : memref<50x8x32x8x128xf32, #tpu.memory_space<hbm>> -> memref<1x1x1x8x128xf32, #tpu.memory_space<hbm>>
    %dma_wait3A_49 = tpu.memref_squeeze %dma_wait3A_48 : memref<1x1x1x8x128xf32, #tpu.memory_space<hbm>> -> memref<8x128xf32, #tpu.memory_space<hbm>>
    %dma_wait3A_50 = arith.constant 0 : i32
    %dma_wait3A_51 = arith.constant 0 : i32
    %dma_wait3A_52 = tpu.memref_slice %arg4[%dma_wait3A_40, %dma_wait3A_41, %dma_wait3A_42, %dma_wait3A_50, %dma_wait3A_51] : memref<50x8x32x8x128xf32, #tpu.memory_space<hbm>> -> memref<1x1x1x8x128xf32, #tpu.memory_space<hbm>>
    %dma_wait3A_53 = tpu.memref_squeeze %dma_wait3A_52 : memref<1x1x1x8x128xf32, #tpu.memory_space<hbm>> -> memref<8x128xf32, #tpu.memory_space<hbm>>
    %dma_wait3A_54 = arith.constant 8 : i32
    %dma_wait3A_55 = arith.constant 0 : i32
    %dma_wait3A_56 = tpu.memref_slice %arg8[%dma_wait3A_54, %dma_wait3A_55] : memref<64x136xf32, #tpu.memory_space<vmem>> -> memref<8x128xf32, #tpu.memory_space<vmem>>
    tpu.wait_dma2 semaphore(%arg12 : memref<!tpu.dma_semaphore, #tpu.memory_space<semaphore_mem>>) src(%dma_wait3A_56 : memref<8x128xf32, #tpu.memory_space<vmem>>) dst(%dma_wait3A_53 : memref<8x128xf32, #tpu.memory_space<hbm>>)
    %dma_wait3A_57 = arith.constant 0 : i32
    %dma_wait3A_58 = arith.constant 2 : i32
    %dma_wait3A_59 = arith.constant 0 : i32
    %dma_wait3A_60 = arith.constant 16 : i32
    %dma_wait3A_61 = arith.constant 0 : i32
    %dma_wait3A_62 = tpu.memref_slice %arg8[%dma_wait3A_60, %dma_wait3A_61] : memref<64x136xf32, #tpu.memory_space<vmem>> -> memref<8x128xf32, #tpu.memory_space<vmem>>
    %dma_wait3A_63 = arith.constant 0 : i32
    %dma_wait3A_64 = arith.constant 0 : i32
    %dma_wait3A_65 = tpu.memref_slice %arg4[%dma_wait3A_57, %dma_wait3A_58, %dma_wait3A_59, %dma_wait3A_63, %dma_wait3A_64] : memref<50x8x32x8x128xf32, #tpu.memory_space<hbm>> -> memref<1x1x1x8x128xf32, #tpu.memory_space<hbm>>
    %dma_wait3A_66 = tpu.memref_squeeze %dma_wait3A_65 : memref<1x1x1x8x128xf32, #tpu.memory_space<hbm>> -> memref<8x128xf32, #tpu.memory_space<hbm>>
    %dma_wait3A_67 = arith.constant 0 : i32
    %dma_wait3A_68 = arith.constant 0 : i32
    %dma_wait3A_69 = tpu.memref_slice %arg4[%dma_wait3A_57, %dma_wait3A_58, %dma_wait3A_59, %dma_wait3A_67, %dma_wait3A_68] : memref<50x8x32x8x128xf32, #tpu.memory_space<hbm>> -> memref<1x1x1x8x128xf32, #tpu.memory_space<hbm>>
    %dma_wait3A_70 = tpu.memref_squeeze %dma_wait3A_69 : memref<1x1x1x8x128xf32, #tpu.memory_space<hbm>> -> memref<8x128xf32, #tpu.memory_space<hbm>>
    %dma_wait3A_71 = arith.constant 16 : i32
    %dma_wait3A_72 = arith.constant 0 : i32
    %dma_wait3A_73 = tpu.memref_slice %arg8[%dma_wait3A_71, %dma_wait3A_72] : memref<64x136xf32, #tpu.memory_space<vmem>> -> memref<8x128xf32, #tpu.memory_space<vmem>>
    tpu.wait_dma2 semaphore(%arg12 : memref<!tpu.dma_semaphore, #tpu.memory_space<semaphore_mem>>) src(%dma_wait3A_73 : memref<8x128xf32, #tpu.memory_space<vmem>>) dst(%dma_wait3A_70 : memref<8x128xf32, #tpu.memory_space<hbm>>)
    %dma_wait3A_74 = arith.constant 0 : i32
    %dma_wait3A_75 = arith.constant 3 : i32
    %dma_wait3A_76 = arith.constant 0 : i32
    %dma_wait3A_77 = arith.constant 24 : i32
    %dma_wait3A_78 = arith.constant 0 : i32
    %dma_wait3A_79 = tpu.memref_slice %arg8[%dma_wait3A_77, %dma_wait3A_78] : memref<64x136xf32, #tpu.memory_space<vmem>> -> memref<8x128xf32, #tpu.memory_space<vmem>>
    %dma_wait3A_80 = arith.constant 0 : i32
    %dma_wait3A_81 = arith.constant 0 : i32
    %dma_wait3A_82 = tpu.memref_slice %arg4[%dma_wait3A_74, %dma_wait3A_75, %dma_wait3A_76, %dma_wait3A_80, %dma_wait3A_81] : memref<50x8x32x8x128xf32, #tpu.memory_space<hbm>> -> memref<1x1x1x8x128xf32, #tpu.memory_space<hbm>>
    %dma_wait3A_83 = tpu.memref_squeeze %dma_wait3A_82 : memref<1x1x1x8x128xf32, #tpu.memory_space<hbm>> -> memref<8x128xf32, #tpu.memory_space<hbm>>
    %dma_wait3A_84 = arith.constant 0 : i32
    %dma_wait3A_85 = arith.constant 0 : i32
    %dma_wait3A_86 = tpu.memref_slice %arg4[%dma_wait3A_74, %dma_wait3A_75, %dma_wait3A_76, %dma_wait3A_84, %dma_wait3A_85] : memref<50x8x32x8x128xf32, #tpu.memory_space<hbm>> -> memref<1x1x1x8x128xf32, #tpu.memory_space<hbm>>
    %dma_wait3A_87 = tpu.memref_squeeze %dma_wait3A_86 : memref<1x1x1x8x128xf32, #tpu.memory_space<hbm>> -> memref<8x128xf32, #tpu.memory_space<hbm>>
    %dma_wait3A_88 = arith.constant 24 : i32
    %dma_wait3A_89 = arith.constant 0 : i32
    %dma_wait3A_90 = tpu.memref_slice %arg8[%dma_wait3A_88, %dma_wait3A_89] : memref<64x136xf32, #tpu.memory_space<vmem>> -> memref<8x128xf32, #tpu.memory_space<vmem>>
    tpu.wait_dma2 semaphore(%arg12 : memref<!tpu.dma_semaphore, #tpu.memory_space<semaphore_mem>>) src(%dma_wait3A_90 : memref<8x128xf32, #tpu.memory_space<vmem>>) dst(%dma_wait3A_87 : memref<8x128xf32, #tpu.memory_space<hbm>>)
    %dma_wait3A_91 = arith.constant 0 : i32
    %dma_wait3A_92 = arith.constant 4 : i32
    %dma_wait3A_93 = arith.constant 0 : i32
    %dma_wait3A_94 = arith.constant 32 : i32
    %dma_wait3A_95 = arith.constant 0 : i32
    %dma_wait3A_96 = tpu.memref_slice %arg8[%dma_wait3A_94, %dma_wait3A_95] : memref<64x136xf32, #tpu.memory_space<vmem>> -> memref<8x128xf32, #tpu.memory_space<vmem>>
    %dma_wait3A_97 = arith.constant 0 : i32
    %dma_wait3A_98 = arith.constant 0 : i32
    %dma_wait3A_99 = tpu.memref_slice %arg4[%dma_wait3A_91, %dma_wait3A_92, %dma_wait3A_93, %dma_wait3A_97, %dma_wait3A_98] : memref<50x8x32x8x128xf32, #tpu.memory_space<hbm>> -> memref<1x1x1x8x128xf32, #tpu.memory_space<hbm>>
    %dma_wait3A_100 = tpu.memref_squeeze %dma_wait3A_99 : memref<1x1x1x8x128xf32, #tpu.memory_space<hbm>> -> memref<8x128xf32, #tpu.memory_space<hbm>>
    %dma_wait3A_101 = arith.constant 0 : i32
    %dma_wait3A_102 = arith.constant 0 : i32
    %dma_wait3A_103 = tpu.memref_slice %arg4[%dma_wait3A_91, %dma_wait3A_92, %dma_wait3A_93, %dma_wait3A_101, %dma_wait3A_102] : memref<50x8x32x8x128xf32, #tpu.memory_space<hbm>> -> memref<1x1x1x8x128xf32, #tpu.memory_space<hbm>>
    %dma_wait3A_104 = tpu.memref_squeeze %dma_wait3A_103 : memref<1x1x1x8x128xf32, #tpu.memory_space<hbm>> -> memref<8x128xf32, #tpu.memory_space<hbm>>
    %dma_wait3A_105 = arith.constant 32 : i32
    %dma_wait3A_106 = arith.constant 0 : i32
    %dma_wait3A_107 = tpu.memref_slice %arg8[%dma_wait3A_105, %dma_wait3A_106] : memref<64x136xf32, #tpu.memory_space<vmem>> -> memref<8x128xf32, #tpu.memory_space<vmem>>
    tpu.wait_dma2 semaphore(%arg12 : memref<!tpu.dma_semaphore, #tpu.memory_space<semaphore_mem>>) src(%dma_wait3A_107 : memref<8x128xf32, #tpu.memory_space<vmem>>) dst(%dma_wait3A_104 : memref<8x128xf32, #tpu.memory_space<hbm>>)
    %dma_wait3A_108 = arith.constant 0 : i32
    %dma_wait3A_109 = arith.constant 5 : i32
    %dma_wait3A_110 = arith.constant 0 : i32
    %dma_wait3A_111 = arith.constant 40 : i32
    %dma_wait3A_112 = arith.constant 0 : i32
    %dma_wait3A_113 = tpu.memref_slice %arg8[%dma_wait3A_111, %dma_wait3A_112] : memref<64x136xf32, #tpu.memory_space<vmem>> -> memref<8x128xf32, #tpu.memory_space<vmem>>
    %dma_wait3A_114 = arith.constant 0 : i32
    %dma_wait3A_115 = arith.constant 0 : i32
    %dma_wait3A_116 = tpu.memref_slice %arg4[%dma_wait3A_108, %dma_wait3A_109, %dma_wait3A_110, %dma_wait3A_114, %dma_wait3A_115] : memref<50x8x32x8x128xf32, #tpu.memory_space<hbm>> -> memref<1x1x1x8x128xf32, #tpu.memory_space<hbm>>
    %dma_wait3A_117 = tpu.memref_squeeze %dma_wait3A_116 : memref<1x1x1x8x128xf32, #tpu.memory_space<hbm>> -> memref<8x128xf32, #tpu.memory_space<hbm>>
    %dma_wait3A_118 = arith.constant 0 : i32
    %dma_wait3A_119 = arith.constant 0 : i32
    %dma_wait3A_120 = tpu.memref_slice %arg4[%dma_wait3A_108, %dma_wait3A_109, %dma_wait3A_110, %dma_wait3A_118, %dma_wait3A_119] : memref<50x8x32x8x128xf32, #tpu.memory_space<hbm>> -> memref<1x1x1x8x128xf32, #tpu.memory_space<hbm>>
    %dma_wait3A_121 = tpu.memref_squeeze %dma_wait3A_120 : memref<1x1x1x8x128xf32, #tpu.memory_space<hbm>> -> memref<8x128xf32, #tpu.memory_space<hbm>>
    %dma_wait3A_122 = arith.constant 40 : i32
    %dma_wait3A_123 = arith.constant 0 : i32
    %dma_wait3A_124 = tpu.memref_slice %arg8[%dma_wait3A_122, %dma_wait3A_123] : memref<64x136xf32, #tpu.memory_space<vmem>> -> memref<8x128xf32, #tpu.memory_space<vmem>>
    tpu.wait_dma2 semaphore(%arg12 : memref<!tpu.dma_semaphore, #tpu.memory_space<semaphore_mem>>) src(%dma_wait3A_124 : memref<8x128xf32, #tpu.memory_space<vmem>>) dst(%dma_wait3A_121 : memref<8x128xf32, #tpu.memory_space<hbm>>)
    %dma_wait3A_125 = arith.constant 0 : i32
    %dma_wait3A_126 = arith.constant 6 : i32
    %dma_wait3A_127 = arith.constant 0 : i32
    %dma_wait3A_128 = arith.constant 48 : i32
    %dma_wait3A_129 = arith.constant 0 : i32
    %dma_wait3A_130 = tpu.memref_slice %arg8[%dma_wait3A_128, %dma_wait3A_129] : memref<64x136xf32, #tpu.memory_space<vmem>> -> memref<8x128xf32, #tpu.memory_space<vmem>>
    %dma_wait3A_131 = arith.constant 0 : i32
    %dma_wait3A_132 = arith.constant 0 : i32
    %dma_wait3A_133 = tpu.memref_slice %arg4[%dma_wait3A_125, %dma_wait3A_126, %dma_wait3A_127, %dma_wait3A_131, %dma_wait3A_132] : memref<50x8x32x8x128xf32, #tpu.memory_space<hbm>> -> memref<1x1x1x8x128xf32, #tpu.memory_space<hbm>>
    %dma_wait3A_134 = tpu.memref_squeeze %dma_wait3A_133 : memref<1x1x1x8x128xf32, #tpu.memory_space<hbm>> -> memref<8x128xf32, #tpu.memory_space<hbm>>
    %dma_wait3A_135 = arith.constant 0 : i32
    %dma_wait3A_136 = arith.constant 0 : i32
    %dma_wait3A_137 = tpu.memref_slice %arg4[%dma_wait3A_125, %dma_wait3A_126, %dma_wait3A_127, %dma_wait3A_135, %dma_wait3A_136] : memref<50x8x32x8x128xf32, #tpu.memory_space<hbm>> -> memref<1x1x1x8x128xf32, #tpu.memory_space<hbm>>
    %dma_wait3A_138 = tpu.memref_squeeze %dma_wait3A_137 : memref<1x1x1x8x128xf32, #tpu.memory_space<hbm>> -> memref<8x128xf32, #tpu.memory_space<hbm>>
    %dma_wait3A_139 = arith.constant 48 : i32
    %dma_wait3A_140 = arith.constant 0 : i32
    %dma_wait3A_141 = tpu.memref_slice %arg8[%dma_wait3A_139, %dma_wait3A_140] : memref<64x136xf32, #tpu.memory_space<vmem>> -> memref<8x128xf32, #tpu.memory_space<vmem>>
    tpu.wait_dma2 semaphore(%arg12 : memref<!tpu.dma_semaphore, #tpu.memory_space<semaphore_mem>>) src(%dma_wait3A_141 : memref<8x128xf32, #tpu.memory_space<vmem>>) dst(%dma_wait3A_138 : memref<8x128xf32, #tpu.memory_space<hbm>>)
    %dma_wait3A_142 = arith.constant 0 : i32
    %dma_wait3A_143 = arith.constant 7 : i32
    %dma_wait3A_144 = arith.constant 0 : i32
    %dma_wait3A_145 = arith.constant 56 : i32
    %dma_wait3A_146 = arith.constant 0 : i32
    %dma_wait3A_147 = tpu.memref_slice %arg8[%dma_wait3A_145, %dma_wait3A_146] : memref<64x136xf32, #tpu.memory_space<vmem>> -> memref<8x128xf32, #tpu.memory_space<vmem>>
    %dma_wait3A_148 = arith.constant 0 : i32
    %dma_wait3A_149 = arith.constant 0 : i32
    %dma_wait3A_150 = tpu.memref_slice %arg4[%dma_wait3A_142, %dma_wait3A_143, %dma_wait3A_144, %dma_wait3A_148, %dma_wait3A_149] : memref<50x8x32x8x128xf32, #tpu.memory_space<hbm>> -> memref<1x1x1x8x128xf32, #tpu.memory_space<hbm>>
    %dma_wait3A_151 = tpu.memref_squeeze %dma_wait3A_150 : memref<1x1x1x8x128xf32, #tpu.memory_space<hbm>> -> memref<8x128xf32, #tpu.memory_space<hbm>>
    %dma_wait3A_152 = arith.constant 0 : i32
    %dma_wait3A_153 = arith.constant 0 : i32
    %dma_wait3A_154 = tpu.memref_slice %arg4[%dma_wait3A_142, %dma_wait3A_143, %dma_wait3A_144, %dma_wait3A_152, %dma_wait3A_153] : memref<50x8x32x8x128xf32, #tpu.memory_space<hbm>> -> memref<1x1x1x8x128xf32, #tpu.memory_space<hbm>>
    %dma_wait3A_155 = tpu.memref_squeeze %dma_wait3A_154 : memref<1x1x1x8x128xf32, #tpu.memory_space<hbm>> -> memref<8x128xf32, #tpu.memory_space<hbm>>
    %dma_wait3A_156 = arith.constant 56 : i32
    %dma_wait3A_157 = arith.constant 0 : i32
    %dma_wait3A_158 = tpu.memref_slice %arg8[%dma_wait3A_156, %dma_wait3A_157] : memref<64x136xf32, #tpu.memory_space<vmem>> -> memref<8x128xf32, #tpu.memory_space<vmem>>
    tpu.wait_dma2 semaphore(%arg12 : memref<!tpu.dma_semaphore, #tpu.memory_space<semaphore_mem>>) src(%dma_wait3A_158 : memref<8x128xf32, #tpu.memory_space<vmem>>) dst(%dma_wait3A_155 : memref<8x128xf32, #tpu.memory_space<hbm>>)
    %dma_wait3A_159 = arith.constant 0 : i32
    %dma_wait3A_160 = arith.constant 0 : i32
    %dma_wait3A_161 = arith.constant 0 : i32
    %dma_wait3A_162 = arith.constant 0 : i32
    %dma_wait3A_163 = arith.constant 0 : i32
    %dma_wait3A_164 = tpu.memref_slice %arg9[%dma_wait3A_162, %dma_wait3A_163] : memref<64x136xf32, #tpu.memory_space<vmem>> -> memref<8x128xf32, #tpu.memory_space<vmem>>
    %dma_wait3A_165 = arith.constant 0 : i32
    %dma_wait3A_166 = arith.constant 0 : i32
    %dma_wait3A_167 = tpu.memref_slice %arg4[%dma_wait3A_159, %dma_wait3A_160, %dma_wait3A_161, %dma_wait3A_165, %dma_wait3A_166] : memref<50x8x32x8x128xf32, #tpu.memory_space<hbm>> -> memref<1x1x1x8x128xf32, #tpu.memory_space<hbm>>
    %dma_wait3A_168 = tpu.memref_squeeze %dma_wait3A_167 : memref<1x1x1x8x128xf32, #tpu.memory_space<hbm>> -> memref<8x128xf32, #tpu.memory_space<hbm>>
    %dma_wait3A_169 = arith.constant 0 : i32
    %dma_wait3A_170 = arith.constant 0 : i32
    %dma_wait3A_171 = tpu.memref_slice %arg4[%dma_wait3A_159, %dma_wait3A_160, %dma_wait3A_161, %dma_wait3A_169, %dma_wait3A_170] : memref<50x8x32x8x128xf32, #tpu.memory_space<hbm>> -> memref<1x1x1x8x128xf32, #tpu.memory_space<hbm>>
    %dma_wait3A_172 = tpu.memref_squeeze %dma_wait3A_171 : memref<1x1x1x8x128xf32, #tpu.memory_space<hbm>> -> memref<8x128xf32, #tpu.memory_space<hbm>>
    %dma_wait3A_173 = arith.constant 0 : i32
    %dma_wait3A_174 = arith.constant 0 : i32
    %dma_wait3A_175 = tpu.memref_slice %arg9[%dma_wait3A_173, %dma_wait3A_174] : memref<64x136xf32, #tpu.memory_space<vmem>> -> memref<8x128xf32, #tpu.memory_space<vmem>>
    tpu.wait_dma2 semaphore(%arg13 : memref<!tpu.dma_semaphore, #tpu.memory_space<semaphore_mem>>) src(%dma_wait3A_175 : memref<8x128xf32, #tpu.memory_space<vmem>>) dst(%dma_wait3A_172 : memref<8x128xf32, #tpu.memory_space<hbm>>)
    %dma_wait3A_176 = arith.constant 0 : i32
    %dma_wait3A_177 = arith.constant 1 : i32
    %dma_wait3A_178 = arith.constant 0 : i32
    %dma_wait3A_179 = arith.constant 8 : i32
    %dma_wait3A_180 = arith.constant 0 : i32
    %dma_wait3A_181 = tpu.memref_slice %arg9[%dma_wait3A_179, %dma_wait3A_180] : memref<64x136xf32, #tpu.memory_space<vmem>> -> memref<8x128xf32, #tpu.memory_space<vmem>>
    %dma_wait3A_182 = arith.constant 0 : i32
    %dma_wait3A_183 = arith.constant 0 : i32
    %dma_wait3A_184 = tpu.memref_slice %arg4[%dma_wait3A_176, %dma_wait3A_177, %dma_wait3A_178, %dma_wait3A_182, %dma_wait3A_183] : memref<50x8x32x8x128xf32, #tpu.memory_space<hbm>> -> memref<1x1x1x8x128xf32, #tpu.memory_space<hbm>>
    %dma_wait3A_185 = tpu.memref_squeeze %dma_wait3A_184 : memref<1x1x1x8x128xf32, #tpu.memory_space<hbm>> -> memref<8x128xf32, #tpu.memory_space<hbm>>
    %dma_wait3A_186 = arith.constant 0 : i32
    %dma_wait3A_187 = arith.constant 0 : i32
    %dma_wait3A_188 = tpu.memref_slice %arg4[%dma_wait3A_176, %dma_wait3A_177, %dma_wait3A_178, %dma_wait3A_186, %dma_wait3A_187] : memref<50x8x32x8x128xf32, #tpu.memory_space<hbm>> -> memref<1x1x1x8x128xf32, #tpu.memory_space<hbm>>
    %dma_wait3A_189 = tpu.memref_squeeze %dma_wait3A_188 : memref<1x1x1x8x128xf32, #tpu.memory_space<hbm>> -> memref<8x128xf32, #tpu.memory_space<hbm>>
    %dma_wait3A_190 = arith.constant 8 : i32
    %dma_wait3A_191 = arith.constant 0 : i32
    %dma_wait3A_192 = tpu.memref_slice %arg9[%dma_wait3A_190, %dma_wait3A_191] : memref<64x136xf32, #tpu.memory_space<vmem>> -> memref<8x128xf32, #tpu.memory_space<vmem>>
    tpu.wait_dma2 semaphore(%arg13 : memref<!tpu.dma_semaphore, #tpu.memory_space<semaphore_mem>>) src(%dma_wait3A_192 : memref<8x128xf32, #tpu.memory_space<vmem>>) dst(%dma_wait3A_189 : memref<8x128xf32, #tpu.memory_space<hbm>>)
    %dma_wait3A_193 = arith.constant 0 : i32
    %dma_wait3A_194 = arith.constant 2 : i32
    %dma_wait3A_195 = arith.constant 0 : i32
    %dma_wait3A_196 = arith.constant 16 : i32
    %dma_wait3A_197 = arith.constant 0 : i32
    %dma_wait3A_198 = tpu.memref_slice %arg9[%dma_wait3A_196, %dma_wait3A_197] : memref<64x136xf32, #tpu.memory_space<vmem>> -> memref<8x128xf32, #tpu.memory_space<vmem>>
    %dma_wait3A_199 = arith.constant 0 : i32
    %dma_wait3A_200 = arith.constant 0 : i32
    %dma_wait3A_201 = tpu.memref_slice %arg4[%dma_wait3A_193, %dma_wait3A_194, %dma_wait3A_195, %dma_wait3A_199, %dma_wait3A_200] : memref<50x8x32x8x128xf32, #tpu.memory_space<hbm>> -> memref<1x1x1x8x128xf32, #tpu.memory_space<hbm>>
    %dma_wait3A_202 = tpu.memref_squeeze %dma_wait3A_201 : memref<1x1x1x8x128xf32, #tpu.memory_space<hbm>> -> memref<8x128xf32, #tpu.memory_space<hbm>>
    %dma_wait3A_203 = arith.constant 0 : i32
    %dma_wait3A_204 = arith.constant 0 : i32
    %dma_wait3A_205 = tpu.memref_slice %arg4[%dma_wait3A_193, %dma_wait3A_194, %dma_wait3A_195, %dma_wait3A_203, %dma_wait3A_204] : memref<50x8x32x8x128xf32, #tpu.memory_space<hbm>> -> memref<1x1x1x8x128xf32, #tpu.memory_space<hbm>>
    %dma_wait3A_206 = tpu.memref_squeeze %dma_wait3A_205 : memref<1x1x1x8x128xf32, #tpu.memory_space<hbm>> -> memref<8x128xf32, #tpu.memory_space<hbm>>
    %dma_wait3A_207 = arith.constant 16 : i32
    %dma_wait3A_208 = arith.constant 0 : i32
    %dma_wait3A_209 = tpu.memref_slice %arg9[%dma_wait3A_207, %dma_wait3A_208] : memref<64x136xf32, #tpu.memory_space<vmem>> -> memref<8x128xf32, #tpu.memory_space<vmem>>
    tpu.wait_dma2 semaphore(%arg13 : memref<!tpu.dma_semaphore, #tpu.memory_space<semaphore_mem>>) src(%dma_wait3A_209 : memref<8x128xf32, #tpu.memory_space<vmem>>) dst(%dma_wait3A_206 : memref<8x128xf32, #tpu.memory_space<hbm>>)
    %dma_wait3A_210 = arith.constant 0 : i32
    %dma_wait3A_211 = arith.constant 3 : i32
    %dma_wait3A_212 = arith.constant 0 : i32
    %dma_wait3A_213 = arith.constant 24 : i32
    %dma_wait3A_214 = arith.constant 0 : i32
    %dma_wait3A_215 = tpu.memref_slice %arg9[%dma_wait3A_213, %dma_wait3A_214] : memref<64x136xf32, #tpu.memory_space<vmem>> -> memref<8x128xf32, #tpu.memory_space<vmem>>
    %dma_wait3A_216 = arith.constant 0 : i32
    %dma_wait3A_217 = arith.constant 0 : i32
    %dma_wait3A_218 = tpu.memref_slice %arg4[%dma_wait3A_210, %dma_wait3A_211, %dma_wait3A_212, %dma_wait3A_216, %dma_wait3A_217] : memref<50x8x32x8x128xf32, #tpu.memory_space<hbm>> -> memref<1x1x1x8x128xf32, #tpu.memory_space<hbm>>
    %dma_wait3A_219 = tpu.memref_squeeze %dma_wait3A_218 : memref<1x1x1x8x128xf32, #tpu.memory_space<hbm>> -> memref<8x128xf32, #tpu.memory_space<hbm>>
    %dma_wait3A_220 = arith.constant 0 : i32
    %dma_wait3A_221 = arith.constant 0 : i32
    %dma_wait3A_222 = tpu.memref_slice %arg4[%dma_wait3A_210, %dma_wait3A_211, %dma_wait3A_212, %dma_wait3A_220, %dma_wait3A_221] : memref<50x8x32x8x128xf32, #tpu.memory_space<hbm>> -> memref<1x1x1x8x128xf32, #tpu.memory_space<hbm>>
    %dma_wait3A_223 = tpu.memref_squeeze %dma_wait3A_222 : memref<1x1x1x8x128xf32, #tpu.memory_space<hbm>> -> memref<8x128xf32, #tpu.memory_space<hbm>>
    %dma_wait3A_224 = arith.constant 24 : i32
    %dma_wait3A_225 = arith.constant 0 : i32
    %dma_wait3A_226 = tpu.memref_slice %arg9[%dma_wait3A_224, %dma_wait3A_225] : memref<64x136xf32, #tpu.memory_space<vmem>> -> memref<8x128xf32, #tpu.memory_space<vmem>>
    tpu.wait_dma2 semaphore(%arg13 : memref<!tpu.dma_semaphore, #tpu.memory_space<semaphore_mem>>) src(%dma_wait3A_226 : memref<8x128xf32, #tpu.memory_space<vmem>>) dst(%dma_wait3A_223 : memref<8x128xf32, #tpu.memory_space<hbm>>)
    %dma_wait3A_227 = arith.constant 0 : i32
    %dma_wait3A_228 = arith.constant 4 : i32
    %dma_wait3A_229 = arith.constant 0 : i32
    %dma_wait3A_230 = arith.constant 32 : i32
    %dma_wait3A_231 = arith.constant 0 : i32
    %dma_wait3A_232 = tpu.memref_slice %arg9[%dma_wait3A_230, %dma_wait3A_231] : memref<64x136xf32, #tpu.memory_space<vmem>> -> memref<8x128xf32, #tpu.memory_space<vmem>>
    %dma_wait3A_233 = arith.constant 0 : i32
    %dma_wait3A_234 = arith.constant 0 : i32
    %dma_wait3A_235 = tpu.memref_slice %arg4[%dma_wait3A_227, %dma_wait3A_228, %dma_wait3A_229, %dma_wait3A_233, %dma_wait3A_234] : memref<50x8x32x8x128xf32, #tpu.memory_space<hbm>> -> memref<1x1x1x8x128xf32, #tpu.memory_space<hbm>>
    %dma_wait3A_236 = tpu.memref_squeeze %dma_wait3A_235 : memref<1x1x1x8x128xf32, #tpu.memory_space<hbm>> -> memref<8x128xf32, #tpu.memory_space<hbm>>
    %dma_wait3A_237 = arith.constant 0 : i32
    %dma_wait3A_238 = arith.constant 0 : i32
    %dma_wait3A_239 = tpu.memref_slice %arg4[%dma_wait3A_227, %dma_wait3A_228, %dma_wait3A_229, %dma_wait3A_237, %dma_wait3A_238] : memref<50x8x32x8x128xf32, #tpu.memory_space<hbm>> -> memref<1x1x1x8x128xf32, #tpu.memory_space<hbm>>
    %dma_wait3A_240 = tpu.memref_squeeze %dma_wait3A_239 : memref<1x1x1x8x128xf32, #tpu.memory_space<hbm>> -> memref<8x128xf32, #tpu.memory_space<hbm>>
    %dma_wait3A_241 = arith.constant 32 : i32
    %dma_wait3A_242 = arith.constant 0 : i32
    %dma_wait3A_243 = tpu.memref_slice %arg9[%dma_wait3A_241, %dma_wait3A_242] : memref<64x136xf32, #tpu.memory_space<vmem>> -> memref<8x128xf32, #tpu.memory_space<vmem>>
    tpu.wait_dma2 semaphore(%arg13 : memref<!tpu.dma_semaphore, #tpu.memory_space<semaphore_mem>>) src(%dma_wait3A_243 : memref<8x128xf32, #tpu.memory_space<vmem>>) dst(%dma_wait3A_240 : memref<8x128xf32, #tpu.memory_space<hbm>>)
    %dma_wait3A_244 = arith.constant 0 : i32
    %dma_wait3A_245 = arith.constant 5 : i32
    %dma_wait3A_246 = arith.constant 0 : i32
    %dma_wait3A_247 = arith.constant 40 : i32
    %dma_wait3A_248 = arith.constant 0 : i32
    %dma_wait3A_249 = tpu.memref_slice %arg9[%dma_wait3A_247, %dma_wait3A_248] : memref<64x136xf32, #tpu.memory_space<vmem>> -> memref<8x128xf32, #tpu.memory_space<vmem>>
    %dma_wait3A_250 = arith.constant 0 : i32
    %dma_wait3A_251 = arith.constant 0 : i32
    %dma_wait3A_252 = tpu.memref_slice %arg4[%dma_wait3A_244, %dma_wait3A_245, %dma_wait3A_246, %dma_wait3A_250, %dma_wait3A_251] : memref<50x8x32x8x128xf32, #tpu.memory_space<hbm>> -> memref<1x1x1x8x128xf32, #tpu.memory_space<hbm>>
    %dma_wait3A_253 = tpu.memref_squeeze %dma_wait3A_252 : memref<1x1x1x8x128xf32, #tpu.memory_space<hbm>> -> memref<8x128xf32, #tpu.memory_space<hbm>>
    %dma_wait3A_254 = arith.constant 0 : i32
    %dma_wait3A_255 = arith.constant 0 : i32
    %dma_wait3A_256 = tpu.memref_slice %arg4[%dma_wait3A_244, %dma_wait3A_245, %dma_wait3A_246, %dma_wait3A_254, %dma_wait3A_255] : memref<50x8x32x8x128xf32, #tpu.memory_space<hbm>> -> memref<1x1x1x8x128xf32, #tpu.memory_space<hbm>>
    %dma_wait3A_257 = tpu.memref_squeeze %dma_wait3A_256 : memref<1x1x1x8x128xf32, #tpu.memory_space<hbm>> -> memref<8x128xf32, #tpu.memory_space<hbm>>
    %dma_wait3A_258 = arith.constant 40 : i32
    %dma_wait3A_259 = arith.constant 0 : i32
    %dma_wait3A_260 = tpu.memref_slice %arg9[%dma_wait3A_258, %dma_wait3A_259] : memref<64x136xf32, #tpu.memory_space<vmem>> -> memref<8x128xf32, #tpu.memory_space<vmem>>
    tpu.wait_dma2 semaphore(%arg13 : memref<!tpu.dma_semaphore, #tpu.memory_space<semaphore_mem>>) src(%dma_wait3A_260 : memref<8x128xf32, #tpu.memory_space<vmem>>) dst(%dma_wait3A_257 : memref<8x128xf32, #tpu.memory_space<hbm>>)
    %dma_wait3A_261 = arith.constant 0 : i32
    %dma_wait3A_262 = arith.constant 6 : i32
    %dma_wait3A_263 = arith.constant 0 : i32
    %dma_wait3A_264 = arith.constant 48 : i32
    %dma_wait3A_265 = arith.constant 0 : i32
    %dma_wait3A_266 = tpu.memref_slice %arg9[%dma_wait3A_264, %dma_wait3A_265] : memref<64x136xf32, #tpu.memory_space<vmem>> -> memref<8x128xf32, #tpu.memory_space<vmem>>
    %dma_wait3A_267 = arith.constant 0 : i32
    %dma_wait3A_268 = arith.constant 0 : i32
    %dma_wait3A_269 = tpu.memref_slice %arg4[%dma_wait3A_261, %dma_wait3A_262, %dma_wait3A_263, %dma_wait3A_267, %dma_wait3A_268] : memref<50x8x32x8x128xf32, #tpu.memory_space<hbm>> -> memref<1x1x1x8x128xf32, #tpu.memory_space<hbm>>
    %dma_wait3A_270 = tpu.memref_squeeze %dma_wait3A_269 : memref<1x1x1x8x128xf32, #tpu.memory_space<hbm>> -> memref<8x128xf32, #tpu.memory_space<hbm>>
    %dma_wait3A_271 = arith.constant 0 : i32
    %dma_wait3A_272 = arith.constant 0 : i32
    %dma_wait3A_273 = tpu.memref_slice %arg4[%dma_wait3A_261, %dma_wait3A_262, %dma_wait3A_263, %dma_wait3A_271, %dma_wait3A_272] : memref<50x8x32x8x128xf32, #tpu.memory_space<hbm>> -> memref<1x1x1x8x128xf32, #tpu.memory_space<hbm>>
    %dma_wait3A_274 = tpu.memref_squeeze %dma_wait3A_273 : memref<1x1x1x8x128xf32, #tpu.memory_space<hbm>> -> memref<8x128xf32, #tpu.memory_space<hbm>>
    %dma_wait3A_275 = arith.constant 48 : i32
    %dma_wait3A_276 = arith.constant 0 : i32
    %dma_wait3A_277 = tpu.memref_slice %arg9[%dma_wait3A_275, %dma_wait3A_276] : memref<64x136xf32, #tpu.memory_space<vmem>> -> memref<8x128xf32, #tpu.memory_space<vmem>>
    tpu.wait_dma2 semaphore(%arg13 : memref<!tpu.dma_semaphore, #tpu.memory_space<semaphore_mem>>) src(%dma_wait3A_277 : memref<8x128xf32, #tpu.memory_space<vmem>>) dst(%dma_wait3A_274 : memref<8x128xf32, #tpu.memory_space<hbm>>)
    %dma_wait3A_278 = arith.constant 0 : i32
    %dma_wait3A_279 = arith.constant 7 : i32
    %dma_wait3A_280 = arith.constant 0 : i32
    %dma_wait3A_281 = arith.constant 56 : i32
    %dma_wait3A_282 = arith.constant 0 : i32
    %dma_wait3A_283 = tpu.memref_slice %arg9[%dma_wait3A_281, %dma_wait3A_282] : memref<64x136xf32, #tpu.memory_space<vmem>> -> memref<8x128xf32, #tpu.memory_space<vmem>>
    %dma_wait3A_284 = arith.constant 0 : i32
    %dma_wait3A_285 = arith.constant 0 : i32
    %dma_wait3A_286 = tpu.memref_slice %arg4[%dma_wait3A_278, %dma_wait3A_279, %dma_wait3A_280, %dma_wait3A_284, %dma_wait3A_285] : memref<50x8x32x8x128xf32, #tpu.memory_space<hbm>> -> memref<1x1x1x8x128xf32, #tpu.memory_space<hbm>>
    %dma_wait3A_287 = tpu.memref_squeeze %dma_wait3A_286 : memref<1x1x1x8x128xf32, #tpu.memory_space<hbm>> -> memref<8x128xf32, #tpu.memory_space<hbm>>
    %dma_wait3A_288 = arith.constant 0 : i32
    %dma_wait3A_289 = arith.constant 0 : i32
    %dma_wait3A_290 = tpu.memref_slice %arg4[%dma_wait3A_278, %dma_wait3A_279, %dma_wait3A_280, %dma_wait3A_288, %dma_wait3A_289] : memref<50x8x32x8x128xf32, #tpu.memory_space<hbm>> -> memref<1x1x1x8x128xf32, #tpu.memory_space<hbm>>
    %dma_wait3A_291 = tpu.memref_squeeze %dma_wait3A_290 : memref<1x1x1x8x128xf32, #tpu.memory_space<hbm>> -> memref<8x128xf32, #tpu.memory_space<hbm>>
    %dma_wait3A_292 = arith.constant 56 : i32
    %dma_wait3A_293 = arith.constant 0 : i32
    %dma_wait3A_294 = tpu.memref_slice %arg9[%dma_wait3A_292, %dma_wait3A_293] : memref<64x136xf32, #tpu.memory_space<vmem>> -> memref<8x128xf32, #tpu.memory_space<vmem>>
    tpu.wait_dma2 semaphore(%arg13 : memref<!tpu.dma_semaphore, #tpu.memory_space<semaphore_mem>>) src(%dma_wait3A_294 : memref<8x128xf32, #tpu.memory_space<vmem>>) dst(%dma_wait3A_291 : memref<8x128xf32, #tpu.memory_space<hbm>>)
    return
  }
}

</mosaic_0001>

<sc_bundles>
// kernel: kernel.3.cloned.1.call-start
scs
__scs_entry_jumppad:
0x0: {  	(pc) =	sbr.rel $0x88, $3  }
0x1: {  	(tag) =	ssettag $0x0;
	lr =	simm.s32 $0x1  }
0x2: {  	[smem:$0x3F9F] =	sst lr;
	_ =	strace $0xD0000000  }
0x3: {  	_ = 	snop  }
0x4: {  	_ = 	snop  }
0x5: {  	_ = 	snop  }
0x6: {  	_ = 	snop  }
0x7: {  	_ = 	snop  }
__scs_overlays_trampoline_lowered:
0x8: {  	[smem:$0x3FAE] =	sst s0  }
0x9: {  	[smem:$0x3FAF] =	sst s1  }
0xa: {  	[smem:$0x3FB0] =	sst s2  }
0xb: {  	[smem:$0x3FB1] =	sst s3  }
0xc: {  	[smem:$0x3FB2] =	sst s4  }
0xd: {  	[smem:$0x3FB3] =	sst s5  }
0xe: {  	[smem:$0x3FB4] =	sst s6  }
0xf: {  	[smem:$0x3FB5] =	sst s7  }
0x10: {  	[smem:$0x3FB6] =	sst s8  }
0x11: {  	[smem:$0x3FB7] =	sst s9;
	s0 =	simm.s32 @!p0 $0x0  }
0x12: {  	s1 =	sld [smem:$0x3F9D];
	s0 =	simm.s32 @p0 $0x1  }
0x13: {  	[smem:$0x3FB8] =	sst s0;
	s0 =	simm.s32 @!p1 $0x0  }
0x14: {  	s2 =	sld [smem:$0x3F9C];
	s0 =	simm.s32 @p1 $0x1  }
0x15: {  	[smem:$0x3FB9] =	sst s0;
	s0 =	simm.s32 @!p2 $0x0  }
0x16: {  	s3 =	sld [smem:$0x3FDB];
	s0 =	simm.s32 @p2 $0x1  }
0x17: {  	s4 =	simm.s32 $0x1BF5;
	[smem:$0x3FBB] =	sst s0  }
0x18: {  	s0 =	sld [smem:$0x3F9E];
	_ =	swait.ge [sflag:s4], $0x0  }
0x19: {  	s7 =	sld [smem:$0x3F9F]  }
0x1a: {  	s8 =	sadd.s32 $0xFFFFE003, lr  }
0x1b: {  	s9 =	sadd.s32 $0xFFFFFEF7, lr;
	s5 =	simm.s32 $0xFFFFFFFF;
	p2 =	slt.u32 s8, $0xFFFFF086  }
0x1c: {  	p1 =	slt.u32 s9, $0xF7A;
	s5 =	simm.s32 @!p2 $0x0  }
0x1d: {  	s5 =	simm.s32 @p1 $0x1;
	p0 =	seq.s32 s7, s2  }
0x1e: {  	s7 =	smul.u32 @!p0 $0xF7A, s2;
	p2 =	seq.s32 @!p0 s5, $0x0  }
0x1f: {  	s9 =	smul.u32 $0xF7A, s1;
	s8 =	simm.s32 @!p0 $0x1BF5;
	p2 =	por !p2, p0  }
0x20: {  	[sflag:s8] =	ssyncset.s32 @!p0 $0xFFFFF086;
	s6 =	sadd.s32 @!p0 s3, s7;
	s7 =	simm.s32 @!p0 $0x108  }
0x21: {  	s3 =	sadd.s32 s3, s9;
	s6 =	sadd.s32 @!p0 $0x88, s6;
	s7 =	simm.s32 @p2 $0x1082  }
0x22: {  	[simem:s7], [sflag:s8] =	dma.local @!p0 [hbm:s6], $0xF7A  }
0x23: {  	s9 =	sor.u32 $0xD0000000, s2;
	s6 =	simm.s32 $0x108;
	_ =	swait.ge @!p0 [sflag:s8], $0x0  }
0x24: {  	s3 =	sadd.s32 $0x88, s3;
	s6 =	simm.s32 @!p1 $0x1082;
	[sflag:s4] =	ssyncset.s32 $0xFFFFF086  }
0x25: {  	[simem:s6], [sflag:s4] =	dma.local [hbm:s3], $0xF7A  }
0x26: {  	[smem:$0x3F9F] =	sst s1;
	(tag) =	ssettag s2;
	_ =	strace s9  }
0x27: {  	s1 =	sld [smem:$0x3FAF]  }
0x28: {  	s2 =	sld [smem:$0x3FB0]  }
0x29: {  	s4 =	sld [smem:$0x3FB2]  }
0x2a: {  	p0 =	seq.s32 s5, $0x0;
	s5 =	sld [smem:$0x3FB3]  }
0x2b: {  	s6 =	sld [smem:$0x3FB4]  }
0x2c: {  	s7 =	sld [smem:$0x3FB5]  }
0x2d: {  	s3 =	simm.s32 $0x108;
	s8 =	sld [smem:$0x3FB6]  }
0x2e: {  	s3 =	simm.s32 @!p0 $0x1082;
	s9 =	sld [smem:$0x3FB7]  }
0x2f: {  	lr =	sadd.s32 s0, s3;
	s0 =	sld [smem:$0x3FAE]  }
0x30: {  	s3 =	sld [smem:$0x3FB1]  }
0x31: {  	[smem:$0x3FBA] =	sst s10  }
0x32: {  	s10 =	sld [smem:$0x3FB8];
	_ =	sdelay $0x3  }
0x33: {  	p0 =	seq.s32 s10, $0x1;
	s10 =	sld [smem:$0x3FBA];
	_ =	sdelay $0x3  }
0x34: {  	[smem:$0x3FBA] =	sst s10  }
0x35: {  	s10 =	sld [smem:$0x3FB9];
	_ =	sdelay $0x3  }
0x36: {  	p1 =	seq.s32 s10, $0x1;
	s10 =	sld [smem:$0x3FBA];
	_ =	sdelay $0x3  }
0x37: {  	[smem:$0x3FBA] =	sst s10  }
0x38: {  	s10 =	sld [smem:$0x3FBB]  }
0x39: {  	_ = 	snop;
	(pc) =	sbr.ind lr, $3  }
0x3a: {  	_ = 	snop  }
0x3b: {  	_ = 	snop  }
0x3c: {  	p2 =	seq.s32 s10, $0x1;
	s10 =	sld [smem:$0x3FBA]  }
0x3d: {  	_ =	shalt  }
0x3e: {  	_ =	shalt  }
0x3f: {  	_ =	shalt  }
0x40: {  	_ =	shalt  }
0x41: {  	_ =	shalt  }
0x42: {  	_ =	shalt  }
0x43: {  	_ =	shalt  }
0x44: {  	_ =	shalt  }
0x45: {  	_ =	shalt  }
0x46: {  	_ =	shalt  }
0x47: {  	_ =	shalt  }
0x48: {  	_ =	shalt  }
0x49: {  	_ =	shalt  }
0x4a: {  	_ =	shalt  }
0x4b: {  	_ =	shalt  }
0x4c: {  	_ =	shalt  }
0x4d: {  	_ =	shalt  }
0x4e: {  	_ =	shalt  }
0x4f: {  	_ =	shalt  }
0x50: {  	_ =	shalt  }
0x51: {  	_ =	shalt  }
0x52: {  	_ =	shalt  }
0x53: {  	_ =	shalt  }
0x54: {  	_ =	shalt  }
0x55: {  	_ =	shalt  }
0x56: {  	_ =	shalt  }
0x57: {  	_ =	shalt  }
0x58: {  	_ =	shalt  }
0x59: {  	_ =	shalt  }
0x5a: {  	_ =	shalt  }
0x5b: {  	_ =	shalt  }
0x5c: {  	_ =	shalt  }
0x5d: {  	_ =	shalt  }
0x5e: {  	_ =	shalt  }
0x5f: {  	_ =	shalt  }
0x60: {  	_ =	shalt  }
0x61: {  	_ =	shalt  }
0x62: {  	_ =	shalt  }
0x63: {  	_ =	shalt  }
0x64: {  	_ =	shalt  }
0x65: {  	_ =	shalt  }
0x66: {  	_ =	shalt  }
0x67: {  	_ =	shalt  }
0x68: {  	_ =	shalt  }
0x69: {  	_ =	shalt  }
0x6a: {  	_ =	shalt  }
0x6b: {  	_ =	shalt  }
0x6c: {  	_ =	shalt  }
0x6d: {  	_ =	shalt  }
0x6e: {  	_ =	shalt  }
0x6f: {  	_ =	shalt  }
0x70: {  	_ =	shalt  }
0x71: {  	_ =	shalt  }
0x72: {  	_ =	shalt  }
0x73: {  	_ =	shalt  }
0x74: {  	_ =	shalt  }
0x75: {  	_ =	shalt  }
0x76: {  	_ =	shalt  }
0x77: {  	_ =	shalt  }
0x78: {  	_ =	shalt  }
0x79: {  	_ =	shalt  }
0x7a: {  	_ =	shalt  }
0x7b: {  	_ =	shalt  }
0x7c: {  	_ =	shalt  }
0x7d: {  	_ =	shalt  }
0x7e: {  	_ =	shalt  }
0x7f: {  	_ =	shalt  }
0x80: {  	_ =	shalt  }
0x81: {  	_ =	shalt  }
0x82: {  	_ =	shalt  }
0x83: {  	_ =	shalt  }
0x84: {  	_ =	shalt  }
0x85: {  	_ =	shalt  }
0x86: {  	_ =	shalt  }
0x87: {  	_ =	shalt  }
.Lfunc_end0:
.L_simem_size_0:
called_computation_lowered:
.L_overlay_start_0:
0x88: {  	s2 =	sld [smem:$0x3FD9]  }
0x89: {  	s3 =	sld [smem:$0x3FFE];
	_ =	sdelay $0x1  }
0x8a: {  	s1 =	srdreg.scid  }
0x8b: {  	s0 =	sand.u32 $0x1, s1  }
0x8c: {  	s17 =	sshll.u32 s0, $0xA;
	s2 =	sadd.s32 s3, s2  }
0x8d: {  	s2 =	sadd.s32 s2, s17  }
0x8e: {  	[smem:$0x3FC6] =	sst s2  }
0x8f: {  	_ = 	snop  }
0x90: {  	s2 =	sld [smem:$0x3FD0];
	(tm) =	ssettm $0x1  }
0x91: {  	s18 =	sld [smem:$0x3FFB];
	_ =	sdelay $0x3  }
0x92: {  	_ =	strace s18  }
0x93: {  	s3 =	sld [smem:$0x3FFC];
	_ =	sdelay $0x3  }
0x94: {  	_ =	strace s3  }
0x95: {  	s3 =	sld [smem:$0x3FFD];
	_ =	sdelay $0x3  }
0x96: {  	_ =	strace s3  }
0x97: {  	_ =	strace $0x8FFFFFFF  }
0x98: {  	s19 =	sld [smem:$0x3FDB];
	_ =	sdelay $0x1  }
0x99: {  	s4 =	simm.s32 $_scs_section_size  }
0x9a: {  	s5 =	simm.s32 $_size__tile_overlayer_lowered;
	s6 =	simm.s32 $_tile_overlayer_lowered  }
0x9b: {  	s22 =	simm.s32 $0x1BFF;
	s21 =	sshll.u32 s6, $0x1;
	s3 =	sadd.s32 s4, s19  }
0x9c: {  	s7 =	simm.s32 $0x0;
	s20 =	sshll.u32 s5, $0x1;
	s5 =	sadd.s32 s21, s3  }
0x9d: {  	[timem:s7], [sflag:s22] =	dma.local [hbm:s5], s20  }
0x9e: {  	_ =	swait.ge [sflag:s22], s20  }
0x9f: {  	s4 =	ssub.s32 $0x0, s20;
	[sflag:s22] =	ssyncset.done $0x0  }
0xa0: {  	[sflag:s22] =	ssyncadd.s32 s4;
	_ =	sdelay $0x1  }
0xa1: {  	s23 =	simm.s32 $0x1B8B  }
0xa2: {  	_ =	swait.ge [sflag:s23], $0x1  }
0xa3: {  	[sflag:s23] =	ssyncset.done $0x0  }
0xa4: {  	s25 =	simm.s32 $0x1B8E;
	s24 =	sld [smem:$0x3FFE];
	[sflag:s23] =	ssyncadd.s32 $0xFFFFFFFF  }
0xa5: {  	s26 =	simm.s32 $execute0_lowered;
	[smem:$0x3FD2] =	sst s25  }
0xa6: {  	s5 =	sshll.u32 s26, $0x1;
	_ =	strace $0x80000046;
	[dreg:$0x1] =	wrdreg $0xFFFFFFFF  }
0xa7: {  	s28 =	simm.s32 $_size_execute0_lowered;
	s3 =	sadd.s32 s3, s5;
	[dreg:$0x0] =	wrdreg $0x0  }
0xa8: {  	s5 =	sshll.u32 s28, $0x1;
	[dreg:$0x2] =	wrdreg s3  }
0xa9: {  	[dreg:$0x3] =	wrdreg s5  }
0xaa: {  	[dreg:$0x4] =	wrdreg $0xC0  }
0xab: {  	_ =	task [dreg:s7], $0x5FFFF  }
0xac: {  	[dreg:$0x1] =	wrdreg $0xFFFFFFFF  }
0xad: {  	[dreg:$0x0] =	wrdreg $0x60  }
0xae: {  	[dreg:$0x2] =	wrdreg s24  }
0xaf: {  	[dreg:$0x3] =	wrdreg s2  }
0xb0: {  	[dreg:$0x4] =	wrdreg $0x9  }
0xb1: {  	_ =	task.clear_ibuf [dreg:s7], $0x5FFFF;
	_ =	strace $0x90000046  }
0xb2: {  	s29 =	simm.s32 $0x9;
	_ =	strace $0x80000048  }
0xb3: {  	_ =	swait.ge [sflag:s29], $0x1  }
0xb4: {  	[sflag:s29] =	ssyncadd.s32 $0xFFFFFFFF  }
0xb5: {  	_ =	strace $0x90000048  }
0xb6: {  	_ =	sfence  }
0xb7: {  	s30 =	sld [smem:$0x0];
	_ =	sdelay $0x2  }
0xb8: {  	s31 =	sshll.u32 s1, $0xD;
	s1 =	sshrl.u32 s1, $0x2  }
0xb9: {  	s3 =	sand.u32 $0x4000, s31;
	s1 =	sadd.s32 s1, s30  }
0xba: {  	s0 =	sor.u32 s3, s0;
	s1 =	sshll.u32 s1, $0x11  }
0xbb: {  	s0 =	sor.u32 s1, s0  }
0xbc: {  	s0 =	sadd.s32 $0x8F2B, s0  }
0xbd: {  	[sflag:s0] =	ssyncadd.remote.s32 $0x1  }
0xbe: {  	_ =	sfence.sel $0xFFFF  }
0xbf: {  	[dreg:$0x0] =	wrdreg $0xFFFFFFFF;
	(pc) =	sbr.abs _section_cstart, $3  }
0xc0: {  	[dreg:$0x1] =	wrdreg $0xFFFFFFFF  }
0xc1: {  	_ =	task.clear_ibuf [dreg:s7], $0x2FFFF;
	_ =	strace $0x9FFFFFFF  }
0xc2: {  	(tm) =	ssettm $0x7FFFFFFF  }
0xc3: {  	_ =	shalt  }
tec
execute0_lowered:
.L_overlay_start_1:
0x0: {  	(tag) =	ssettag $0x1  }
0x1: {  	s0 =	rddreg [dreg:$0x0];
	s1 =	srdreg.scid  }
0x2: {  	s3 =	stileid.u32;
	s2 =	rddreg [dreg:$0x1];
	v0 =	vlaneseq.u32  }
0x3: {  	s16 =	simm.s32 $0x80;
	s19 =	simm.s32 $0x1;
	s20 =	simm.s32 $0x5900;
	v0 =	vmul.u32 $0x88, v0  }
0x4: {  	s14 =	simm.s32 $0x4;
	s15 =	simm.s32 $0x7B00;
	v1 =	vimm.s32 $0x0;
	vm0 =	vcmask $0x300;
	s17 =	simm.s32 $0x9948  }
0x5: {  	s18 =	simm.s32 $0x99D0;
	s21 =	simm.s32 $0x9A58;
	s22 =	simm.s32 $0x9AE0;
	v1 =	vsel vm0, $0x3, v1;
	v2 =	vadd.s32 $0x880, v0  }
0x6: {  	s23 =	simm.s32 $0x9B68;
	s24 =	simm.s32 $0x9BF0;
	s25 =	simm.s32 $0x9C78;
	v3 =	vadd.s32 $0x1100, v0;
	v4 =	vadd.s32 $0x1980, v0;
	v5 =	vor.u32 $0x1, v0  }
0x7: {  	s26 =	simm.s32 $0x0;
	s1 =	sand.u32 $0x1, s1;
	s4 =	sshll.u32 s3, $0x1;
	v6 =	vadd.s32 $0x881, v0;
	v7 =	vadd.s32 $0x1101, v0;
	v8 =	vadd.s32 $0x1981, v0  }
0x8: {  	s3 =	simm.s32 $0x0;
	s8 =	sadd.s32 $0x2000, s2;
	s9 =	sadd.s32 $0x3000, s2;
	v9 =	vor.u32 $0x2, v0;
	v10 =	vadd.s32 $0x882, v0;
	v11 =	vadd.s32 $0x1102, v0  }
0x9: {  	s10 =	sadd.s32 $0x4000, s2;
	s11 =	sadd.s32 $0x5000, s2;
	s12 =	sadd.s32 $0x6000, s2;
	v12 =	vadd.s32 $0x1982, v0;
	v13 =	vor.u32 $0x3, v0;
	v14 =	vadd.s32 $0x883, v0  }
0xa: {  	s13 =	sadd.s32 $0x7000, s2;
	s5 =	sor.u32 s1, s4;
	s1 =	ssub.s32 $0x2, s1;
	v15 =	vadd.s32 $0x1103, v0;
	v16 =	vadd.s32 $0x1983, v0;
	v17 =	vor.u32 $0x4, v0  }
0xb: {  	[smem:$0x7FF] =	sst s3;
	s4 =	smul.u32 $0x320, s5;
	s6 =	sshrl.u32 s1, $0x1;
	v18 =	vadd.s32 $0x884, v0;
	v19 =	vadd.s32 $0x1104, v0;
	v20 =	vadd.s32 $0x1984, v0  }
0xc: {  	_ =	strace $0x80000047;
	v21 =	vor.u32 $0x5, v0;
	v22 =	vadd.s32 $0x885, v0;
	v23 =	vadd.s32 $0x1105, v0;
	s30 =	ssub.s32 s1, s6;
	s6 =	sshll.u32 s5, $0xA  }
0xd: {  	v24 =	vadd.s32 $0x1985, v0;
	v25 =	vor.u32 $0x6, v0;
	v26 =	vadd.s32 $0x886, v0;
	s7 =	sadd.s32 s4, s0;
	s4 =	sadd.s32 $0x6800, s0;
	s0 =	smax.u32 s30, $0x1  }
0xe: {  	v27 =	vadd.s32 $0x1106, v0;
	v28 =	vadd.s32 $0x1986, v0;
	v29 =	vor.u32 $0x7, v0;
	s5 =	simm.s32 $0x2;
	s31 =	sadd.s32 $0x400, s7;
	[dreg:$0x4] =	wrdreg s0  }
0xf: {  	v30 =	vadd.s32 $0x887, v0;
	v31 =	vadd.s32 $0x1107, v0;
	v32 =	vadd.s32 $0x1987, v0;
	s7 =	sadd.s32 $0x1000, s2;
	s0 =	simm.s32 $0x98C0;
	[dreg:$0x3] =	wrdreg s31  }
.LBB2_1:
0x10: {  	[dreg:$0x5] =	wrdreg s26  }
0x11: {  	s1 =	rddreg [dreg:$0x3];
	s30 =	simm.s32 $0x5  }
0x12: {  	[tilespmem:s3], [sflag:$0x5] =	stream.linear.gather [hbm4b:s1+s3], $0x1900, $0x38;
	[tilespmem:$0x9D00] =	vst v63  }
0x13: {  	_ =	swait.ge [sflag:s30], $0x1900  }
0x14: {  	[sflag:s30] =	ssyncset.done $0x0  }
0x15: {  	s31 =	simm.s32 $0x1900;
	s26 =	simm.s32 $0x0;
	[sflag:s30] =	ssyncadd.s32 $0xFFFFE700  }
0x16: {  	[tilespmem:s31], [sflag:$0x1] =	stream.indirect.gather [hbm4b:s4+s16], $0x40, s3, s16, $0xb8;
	[tilespmem:$0x9D00] =	vst v63  }
.LBB2_2:
0x17: {  	s28 =	sshllo.u32 s26, $0x1  }
0x18: {  	s29 =	sshll.u32 s28, $0x7  }
0x19: {  	s1 =	simm.s32 $0x3900;
	s29 =	sand.u32 $0x3FFFFF80, s29  }
0x1a: {  	[tilespmem:s1], [sflag:$0x2] =	stream.indirect.gather [hbm4b:s4+s16], $0x40, s29, s16, $0xb8;
	[tilespmem:$0x9D00] =	vst v63  }
0x1b: {  	_ =	swait.ge [sflag:s19], $0x2000  }
0x1c: {  	p0 =	seq.s32 s26, $0x0;
	[sflag:s19] =	ssyncset.done $0x0  }
0x1d: {  	s29 =	simm.s32 @!p0 $0x3;
	[sflag:s19] =	ssyncadd.s32 $0xFFFFE000  }
0x1e: {  	_ =	swait.ge @!p0 [sflag:s29], $0x400  }
0x1f: {  	[sflag:s29] =	ssyncset.done @!p0 $0x0  }
0x20: {  	[sflag:s29] =	ssyncadd.s32 @!p0 $0xFFFFFC00  }
0x21: {  	_ =	swait.ge @!p0 [sflag:s29], $0x400  }
0x22: {  	[sflag:s29] =	ssyncset.done @!p0 $0x0  }
0x23: {  	[sflag:s29] =	ssyncadd.s32 @!p0 $0xFFFFFC00  }
0x24: {  	_ =	swait.ge @!p0 [sflag:s29], $0x400  }
0x25: {  	[sflag:s29] =	ssyncset.done @!p0 $0x0  }
0x26: {  	[sflag:s29] =	ssyncadd.s32 @!p0 $0xFFFFFC00  }
0x27: {  	_ =	swait.ge @!p0 [sflag:s29], $0x400  }
0x28: {  	[sflag:s29] =	ssyncset.done @!p0 $0x0  }
0x29: {  	[sflag:s29] =	ssyncadd.s32 @!p0 $0xFFFFFC00  }
0x2a: {  	_ =	swait.ge @!p0 [sflag:s29], $0x400  }
0x2b: {  	[sflag:s29] =	ssyncset.done @!p0 $0x0  }
0x2c: {  	[sflag:s29] =	ssyncadd.s32 @!p0 $0xFFFFFC00  }
0x2d: {  	_ =	swait.ge @!p0 [sflag:s29], $0x400  }
0x2e: {  	s30 =	simm.s32 $0x0;
	s31 =	simm.s32 $0x2;
	[sflag:s29] =	ssyncset.done @!p0 $0x0  }
0x2f: {  	v33 =	vmov s30;
	s30 =	simm.s32 $0x1;
	v35 =	vmov s31;
	[sflag:s29] =	ssyncadd.s32 @!p0 $0xFFFFFC00  }
0x30: {  	v34 =	vmov s30;
	s30 =	simm.s32 $0x7;
	v33 =	vshrl.u32 v33, $0x3;
	v35 =	vshrl.u32 v35, $0x3;
	_ =	swait.ge @!p0 [sflag:s29], $0x400  }
0x31: {  	s1 =	simm.s32 $0x3;
	v38 =	vmov s30;
	v33 =	vshll.u32 v33, v1;
	v34 =	vshrl.u32 v34, $0x3;
	[sflag:s29] =	ssyncset.done @!p0 $0x0  }
0x32: {  	v52 =	vshll.u32 v35, v1;
	v36 =	vmov s1;
	v38 =	vshrl.u32 v38, $0x3;
	[sflag:s29] =	ssyncadd.s32 @!p0 $0xFFFFFC00  }
0x33: {  	s1 =	simm.s32 $0x4;
	v33 =	vbroadcast v33, $0x0;
	v34 =	vshll.u32 v34, v1;
	v38 =	vshll.u32 v38, v1;
	_ =	swait.ge @!p0 [sflag:s29], $0x400  }
0x34: {  	v52 =	vbroadcast v52, $0x0;
	v37 =	vmov s1;
	s1 =	simm.s32 $0x5;
	v38 =	vbroadcast v38, $0x0;
	[sflag:s29] =	ssyncset.done @!p0 $0x0  }
0x35: {  	v36 =	vshrl.u32 v36, $0x3;
	v45 =	vbroadcast v34, $0x0;
	v39 =	vmov s1;
	[sflag:s29] =	ssyncadd.s32 @!p0 $0xFFFFFC00;
	s29 =	simm.s32 $0x1A00  }
0x36: {  	v37 =	vshrl.u32 v37, $0x3;
	v44 =	vadd.s32 v0, v33;
	v42 =	vadd.s32 v29, v38;
	v41 =	vld [tilespmem:s29+$0xC0]  }
0x37: {  	v53 =	vshll.u32 v36, v1;
	v49 =	vadd.s32 v9, v52;
	v47 =	vadd.s32 v5, v45;
	v43 =	vld [tilespmem:s29+$0xFFFFFF00]  }
0x38: {  	s1 =	simm.s32 $0x6;
	v35 =	vbroadcast v53, $0x0;
	v54 =	vshll.u32 v37, v1;
	v55 =	vshrl.u32 v39, $0x3;
	v46 =	vld [tilespmem:s29+$0xFFFFFF40]  }
0x39: {  	v40 =	vmov s1;
	v34 =	vbroadcast v54, $0x0;
	v36 =	vshll.u32 v55, v1;
	v48 =	vld [tilespmem:s29+$0xFFFFFF80]  }
0x3a: {  	v40 =	vshrl.u32 v40, $0x3;
	v50 =	vadd.s32 v13, v35;
	v37 =	vbroadcast v36, $0x0;
	v39 =	vld [tilespmem:s29+$0xFFFFFFC0]  }
0x3b: {  	v56 =	vshll.u32 v40, v1;
	v53 =	vadd.s32 v17, v34;
	v51 =	vld [tilespmem:s29+$0x0];
	[tilespmem:v42+s20+$0x0] =	vst.idx.msk $0xffff, v41  }
0x3c: {  	v36 =	vbroadcast v56, $0x0;
	v60 =	vadd.s32 v21, v37;
	v59 =	vld [tilespmem:s29+$0x40];
	[tilespmem:v44+s20+$0x0] =	vst.idx.msk $0xffff, v43  }
0x3d: {  	v58 =	vadd.s32 v30, v38;
	[tilespmem:v47+s20+$0x0] =	vst.idx.msk $0xffff, v46;
	v57 =	vld [tilespmem:s29+$0xD0]  }
0x3e: {  	v62 =	vadd.s32 v25, v36;
	v61 =	vld [tilespmem:s29+$0x80];
	[tilespmem:v49+s20+$0x0] =	vst.idx.msk $0xffff, v48  }
0x3f: {  	v63 =	vadd.s32 v6, v45;
	[tilespmem:v50+s20+$0x0] =	vst.idx.msk $0xffff, v39;
	v47 =	vld [tilespmem:s29+$0xFFFFFF50]  }
0x40: {  	v55 =	vadd.s32 v10, v52;
	[tilespmem:v53+s20+$0x0] =	vst.idx.msk $0xffff, v51;
	v54 =	vld [tilespmem:s29+$0xFFFFFF90]  }
0x41: {  	v56 =	vadd.s32 v14, v35;
	[tilespmem:v60+s20+$0x0] =	vst.idx.msk $0xffff, v59;
	v50 =	vld [tilespmem:s29+$0xFFFFFFD0]  }
0x42: {  	v46 =	vadd.s32 v22, v37;
	v44 =	vld [tilespmem:s29+$0x50];
	[tilespmem:v58+s20+$0x0] =	vst.idx.msk $0xffff, v57  }
0x43: {  	[tilespmem:v62+s20+$0x0] =	vst.idx.msk $0xffff, v61;
	v57 =	vadd.s32 v31, v38;
	v40 =	vld [tilespmem:s29+$0xE0]  }
0x44: {  	v62 =	vadd.s32 v2, v33;
	v61 =	vld [tilespmem:s29+$0xFFFFFF10];
	[tilespmem:v63+s20+$0x0] =	vst.idx.msk $0xffff, v47  }
0x45: {  	v59 =	vadd.s32 v18, v34;
	v58 =	vld [tilespmem:s29+$0x10];
	[tilespmem:v55+s20+$0x0] =	vst.idx.msk $0xffff, v54  }
0x46: {  	v60 =	vadd.s32 v26, v36;
	v63 =	vld [tilespmem:s29+$0x90];
	[tilespmem:v56+s20+$0x0] =	vst.idx.msk $0xffff, v50  }
0x47: {  	v51 =	vadd.s32 v7, v45;
	[tilespmem:v46+s20+$0x0] =	vst.idx.msk $0xffff, v44;
	v50 =	vld [tilespmem:s29+$0xFFFFFF60]  }
0x48: {  	v56 =	vadd.s32 v11, v52;
	v55 =	vld [tilespmem:s29+$0xFFFFFFA0];
	[tilespmem:v57+s20+$0x0] =	vst.idx.msk $0xffff, v40  }
0x49: {  	v38 =	vadd.s32 v32, v38;
	[tilespmem:v62+s20+$0x0] =	vst.idx.msk $0xffff, v61;
	v54 =	vld [tilespmem:s29+$0xF0]  }
0x4a: {  	[tilespmem:v59+s20+$0x0] =	vst.idx.msk $0xffff, v58;
	v58 =	vadd.s32 v15, v35;
	v57 =	vld [tilespmem:s29+$0xFFFFFFE0]  }
0x4b: {  	s1 =	simm.s32 $0x8;
	[tilespmem:v60+s20+$0x0] =	vst.idx.msk $0xffff, v63;
	v60 =	vadd.s32 v19, v34;
	v59 =	vld [tilespmem:s29+$0x20]  }
0x4c: {  	v41 =	vadd.s32 v23, v37;
	v63 =	vmov s1;
	s1 =	simm.s32 $0x9;
	[tilespmem:v51+s20+$0x0] =	vst.idx.msk $0xffff, v50;
	v40 =	vld [tilespmem:s29+$0x60]  }
0x4d: {  	s30 =	simm.s32 $0xB;
	v43 =	vadd.s32 v27, v36;
	v48 =	vadd.s32 v3, v33;
	v53 =	vmov s1;
	s1 =	simm.s32 $0xA;
	v42 =	vld [tilespmem:s29+$0xA0];
	[tilespmem:v56+s20+$0x0] =	vst.idx.msk $0xffff, v55  }
0x4e: {  	v44 =	vmov s30;
	v52 =	vadd.s32 v12, v52;
	v46 =	vld [tilespmem:s29+$0xFFFFFF20];
	[tilespmem:v38+s20+$0x0] =	vst.idx.msk $0xffff, v54;
	v54 =	vmov s1;
	s1 =	simm.s32 $0xC  }
0x4f: {  	s30 =	simm.s32 $0xD;
	v39 =	vshrl.u32 v63, $0x3;
	v51 =	vadd.s32 v8, v45;
	v49 =	vld [tilespmem:s29+$0xFFFFFF70];
	[tilespmem:v58+s20+$0x0] =	vst.idx.msk $0xffff, v57;
	v47 =	vmov s1;
	s1 =	simm.s32 $0xE  }
0x50: {  	s31 =	simm.s32 $0xF;
	v45 =	vshll.u32 v39, v1;
	v50 =	vld [tilespmem:s29+$0xFFFFFFB0];
	[tilespmem:v60+s20+$0x0] =	vst.idx.msk $0xffff, v59;
	v38 =	vmov s30;
	s30 =	simm.s32 $0x10;
	v39 =	vmov s1  }
.LBB2_3:
0x51: {  	p1 =	slt.u32 s30, $0x78;
	v53 =	vshrl.u32 v53, $0x3;
	v55 =	vmov s31;
	v56 =	vld [tilespmem:s29+$0xFFFFFFF0];
	v35 =	vadd.s32 v16, v35;
	[tilespmem:v41+s20+$0x0] =	vst.idx.msk $0xffff, v40  }
0x52: {  	v40 =	vshrl.u32 v54, $0x3;
	v34 =	vadd.s32 v20, v34;
	v41 =	vshrl.u32 v55, $0x3;
	v54 =	vld [tilespmem:s29+$0x30];
	[tilespmem:v43+s20+$0x0] =	vst.idx.msk $0xffff, v42  }
0x53: {  	v37 =	vadd.s32 v24, v37;
	v42 =	vshrl.u32 v44, $0x3;
	v41 =	vshll.u32 v41, v1;
	[tilespmem:v48+s20+$0x0] =	vst.idx.msk $0xffff, v46;
	v43 =	vld [tilespmem:s29+$0x70]  }
0x54: {  	v36 =	vadd.s32 v28, v36;
	v44 =	vshrl.u32 v47, $0x3;
	v41 =	vbroadcast v41, $0x0;
	[tilespmem:v51+s20+$0x0] =	vst.idx.msk $0xffff, v49;
	v46 =	vld [tilespmem:s29+$0xB0]  }
0x55: {  	v47 =	vshll.u32 v53, v1;
	v49 =	vadd.s32 v4, v33;
	v33 =	vbroadcast v45, $0x0;
	v48 =	vld [tilespmem:s29+$0xFFFFFF30];
	[tilespmem:v52+s20+$0x0] =	vst.idx.msk $0xffff, v50;
	s29 =	sadd.s32 $0x200, s29  }
0x56: {  	v40 =	vshll.u32 v40, v1;
	v45 =	vbroadcast v47, $0x0;
	v47 =	vld [tilespmem:s29+$0xC0];
	v50 =	vadd.s32 v29, v41;
	[tilespmem:v35+s20+$0x0] =	vst.idx.msk $0xffff, v56  }
0x57: {  	v55 =	vbroadcast v40, $0x0;
	v52 =	vadd.s32 v0, v33;
	v35 =	vshll.u32 v42, v1;
	v51 =	vld [tilespmem:s29+$0xFFFFFF00];
	[tilespmem:v34+s20+$0x0] =	vst.idx.msk $0xffff, v54  }
0x58: {  	v42 =	vadd.s32 v5, v45;
	v35 =	vbroadcast v35, $0x0;
	v34 =	vshll.u32 v44, v1;
	v40 =	vld [tilespmem:s29+$0xFFFFFF40];
	[tilespmem:v37+s20+$0x0] =	vst.idx.msk $0xffff, v43  }
0x59: {  	v44 =	vadd.s32 v9, v55;
	v34 =	vbroadcast v34, $0x0;
	v37 =	vshrl.u32 v38, $0x3;
	v43 =	vld [tilespmem:s29+$0xFFFFFF80];
	[tilespmem:v36+s20+$0x0] =	vst.idx.msk $0xffff, v46  }
0x5a: {  	v39 =	vshrl.u32 v39, $0x3;
	v46 =	vadd.s32 v13, v35;
	v36 =	vshll.u32 v37, v1;
	v38 =	vld [tilespmem:s29+$0xFFFFFFC0];
	[tilespmem:v49+s20+$0x0] =	vst.idx.msk $0xffff, v48  }
0x5b: {  	v49 =	vadd.s32 v17, v34;
	v37 =	vbroadcast v36, $0x0;
	v36 =	vshll.u32 v39, v1;
	v48 =	vld [tilespmem:s29+$0x0];
	[tilespmem:v50+s20+$0x0] =	vst.idx.msk $0xffff, v47  }
0x5c: {  	v36 =	vbroadcast v36, $0x0;
	v47 =	vadd.s32 v30, v41;
	[tilespmem:v52+s20+$0x0] =	vst.idx.msk $0xffff, v51;
	v39 =	vld [tilespmem:s29+$0xD0]  }
0x5d: {  	[tilespmem:v42+s20+$0x0] =	vst.idx.msk $0xffff, v40;
	v40 =	vld [tilespmem:s29+$0x40];
	v42 =	vadd.s32 v21, v37  }
0x5e: {  	[tilespmem:v44+s20+$0x0] =	vst.idx.msk $0xffff, v43;
	v43 =	vld [tilespmem:s29+$0x80];
	v44 =	vadd.s32 v25, v36  }
0x5f: {  	v51 =	vadd.s32 v6, v45;
	v50 =	vld [tilespmem:s29+$0xFFFFFF50];
	[tilespmem:v46+s20+$0x0] =	vst.idx.msk $0xffff, v38  }
0x60: {  	v46 =	vadd.s32 v10, v55;
	v38 =	vld [tilespmem:s29+$0xFFFFFF90];
	[tilespmem:v49+s20+$0x0] =	vst.idx.msk $0xffff, v48  }
0x61: {  	v49 =	vadd.s32 v14, v35;
	v48 =	vld [tilespmem:s29+$0xFFFFFFD0];
	[tilespmem:v47+s20+$0x0] =	vst.idx.msk $0xffff, v39  }
0x62: {  	[tilespmem:v42+s20+$0x0] =	vst.idx.msk $0xffff, v40;
	v39 =	vld [tilespmem:s29+$0xE0];
	v40 =	vadd.s32 v31, v41  }
0x63: {  	v47 =	vadd.s32 v18, v34;
	v42 =	vld [tilespmem:s29+$0x10];
	[tilespmem:v44+s20+$0x0] =	vst.idx.msk $0xffff, v43  }
0x64: {  	v44 =	vadd.s32 v22, v37;
	[tilespmem:v51+s20+$0x0] =	vst.idx.msk $0xffff, v50;
	v43 =	vld [tilespmem:s29+$0x50]  }
0x65: {  	[tilespmem:v46+s20+$0x0] =	vst.idx.msk $0xffff, v38;
	v38 =	vld [tilespmem:s29+$0x90];
	v46 =	vadd.s32 v26, v36  }
0x66: {  	v51 =	vadd.s32 v2, v33;
	v50 =	vld [tilespmem:s29+$0xFFFFFF10];
	[tilespmem:v49+s20+$0x0] =	vst.idx.msk $0xffff, v48  }
0x67: {  	v49 =	vadd.s32 v7, v45;
	v48 =	vld [tilespmem:s29+$0xFFFFFF60];
	[tilespmem:v40+s20+$0x0] =	vst.idx.msk $0xffff, v39  }
0x68: {  	[tilespmem:v47+s20+$0x0] =	vst.idx.msk $0xffff, v42;
	v39 =	vld [tilespmem:s29+$0xF0];
	v47 =	vadd.s32 v32, v41  }
0x69: {  	v56 =	vadd.s32 v11, v55;
	v52 =	vld [tilespmem:s29+$0xFFFFFFA0];
	[tilespmem:v44+s20+$0x0] =	vst.idx.msk $0xffff, v43  }
0x6a: {  	v58 =	vadd.s32 v15, v35;
	v57 =	vld [tilespmem:s29+$0xFFFFFFE0];
	[tilespmem:v46+s20+$0x0] =	vst.idx.msk $0xffff, v38  }
0x6b: {  	v60 =	vadd.s32 v19, v34;
	[tilespmem:v51+s20+$0x0] =	vst.idx.msk $0xffff, v50;
	v59 =	vld [tilespmem:s29+$0x20]  }
.Ltmp0:
0x6c: {  	s1 =	sadd.s32 $0x1, s30;
	v41 =	vadd.s32 v23, v37;
	v38 =	vmov s30;
	[tilespmem:v49+s20+$0x0] =	vst.idx.msk $0xffff, v48;
	v40 =	vld [tilespmem:s29+$0x60];
	(pc) =	sbr.rel @p1 .LBB2_3-.Ltmp0, $4  }
0x6d: {  	s31 =	sadd.s32 $0x3, s30;
	v53 =	vmov s1;
	s1 =	sadd.s32 $0x2, s30;
	v43 =	vadd.s32 v27, v36;
	v50 =	vshrl.u32 v38, $0x3;
	v42 =	vld [tilespmem:s29+$0xA0];
	[tilespmem:v47+s20+$0x0] =	vst.idx.msk $0xffff, v39  }
0x6e: {  	v54 =	vmov s1;
	s1 =	sadd.s32 $0x4, s30;
	v44 =	vmov s31;
	s31 =	sadd.s32 $0x5, s30;
	v48 =	vadd.s32 v3, v33;
	v46 =	vld [tilespmem:s29+$0xFFFFFF20];
	[tilespmem:v56+s20+$0x0] =	vst.idx.msk $0xffff, v52  }
0x6f: {  	v38 =	vmov s31;
	v51 =	vadd.s32 v8, v45;
	v47 =	vmov s1;
	s1 =	sadd.s32 $0x6, s30;
	v49 =	vld [tilespmem:s29+$0xFFFFFF70];
	[tilespmem:v58+s20+$0x0] =	vst.idx.msk $0xffff, v57  }
0x70: {  	s31 =	sadd.s32 $0x7, s30;
	v45 =	vshll.u32 v50, v1;
	s30 =	sadd.s32 $0x8, s30;
	v39 =	vmov s1;
	v52 =	vadd.s32 v12, v55;
	v50 =	vld [tilespmem:s29+$0xFFFFFFB0];
	[tilespmem:v60+s20+$0x0] =	vst.idx.msk $0xffff, v59  }
0x71: {  	_ =	sdelay $0x2  }
0x72: {  	v53 =	vshrl.u32 v53, $0x3  }
0x73: {  	v55 =	vmov s31;
	v56 =	vld [tilespmem:s29+$0xFFFFFFF0];
	v35 =	vadd.s32 v16, v35;
	[tilespmem:v41+s20+$0x0] =	vst.idx.msk $0xffff, v40;
	v57 =	vshrl.u32 v54, $0x3  }
0x74: {  	v59 =	vld [tilespmem:s29+$0x30];
	v34 =	vadd.s32 v20, v34;
	v60 =	vshrl.u32 v44, $0x3;
	v58 =	vshrl.u32 v55, $0x3;
	[tilespmem:v43+s20+$0x0] =	vst.idx.msk $0xffff, v42  }
0x75: {  	v37 =	vadd.s32 v24, v37;
	v62 =	vshrl.u32 v47, $0x3;
	v61 =	vld [tilespmem:s29+$0x70];
	v41 =	vshll.u32 v58, v1;
	[tilespmem:v48+s20+$0x0] =	vst.idx.msk $0xffff, v46  }
0x76: {  	v36 =	vadd.s32 v28, v36;
	v45 =	vbroadcast v45, $0x0;
	v63 =	vld [tilespmem:s29+$0xB0];
	v41 =	vbroadcast v41, $0x0;
	[tilespmem:v51+s20+$0x0] =	vst.idx.msk $0xffff, v49  }
0x77: {  	v33 =	vadd.s32 v4, v33;
	s30 =	sadd.s32 $0x200, s29;
	v38 =	vshrl.u32 v38, $0x3;
	v55 =	vshll.u32 v53, v1;
	v48 =	vld [tilespmem:s29+$0xFFFFFF30];
	[tilespmem:v52+s20+$0x0] =	vst.idx.msk $0xffff, v50  }
0x78: {  	v40 =	vshll.u32 v57, v1;
	v47 =	vbroadcast v55, $0x0;
	v49 =	vld [tilespmem:s30+$0xC0];
	v50 =	vadd.s32 v29, v41;
	[tilespmem:v35+s20+$0x0] =	vst.idx.msk $0xffff, v56  }
0x79: {  	v42 =	vshll.u32 v60, v1;
	v40 =	vbroadcast v40, $0x0;
	v35 =	vld [tilespmem:s30+$0xFFFFFF00];
	v56 =	vadd.s32 v0, v45;
	[tilespmem:v34+s20+$0x0] =	vst.idx.msk $0xffff, v59  }
0x7a: {  	v57 =	vld [tilespmem:s30+$0xFFFFFF40];
	v44 =	vshll.u32 v62, v1;
	v42 =	vbroadcast v42, $0x0;
	v58 =	vadd.s32 v5, v47;
	[tilespmem:v37+s20+$0x0] =	vst.idx.msk $0xffff, v61  }
0x7b: {  	v38 =	vshll.u32 v38, v1;
	v44 =	vbroadcast v44, $0x0;
	v60 =	vadd.s32 v9, v40;
	v59 =	vld [tilespmem:s30+$0xFFFFFF80];
	[tilespmem:v36+s20+$0x0] =	vst.idx.msk $0xffff, v63  }
0x7c: {  	v38 =	vbroadcast v38, $0x0;
	v62 =	vadd.s32 v13, v42;
	v61 =	vld [tilespmem:s30+$0xFFFFFFC0];
	[tilespmem:v33+s20+$0x0] =	vst.idx.msk $0xffff, v48  }
0x7d: {  	v39 =	vshrl.u32 v39, $0x3;
	v63 =	vadd.s32 v17, v44;
	v33 =	vld [tilespmem:s30+$0x0];
	[tilespmem:v50+s20+$0x0] =	vst.idx.msk $0xffff, v49  }
0x7e: {  	v39 =	vshll.u32 v39, v1;
	v34 =	vld [tilespmem:s30+$0x40];
	[tilespmem:v56+s20+$0x0] =	vst.idx.msk $0xffff, v35;
	v56 =	vadd.s32 v21, v38  }
0x7f: {  	[tilespmem:v58+s20+$0x0] =	vst.idx.msk $0xffff, v57;
	v35 =	vbroadcast v39, $0x0;
	v49 =	vadd.s32 v30, v41;
	v39 =	vld [tilespmem:s30+$0xD0]  }
0x80: {  	[tilespmem:v60+s20+$0x0] =	vst.idx.msk $0xffff, v59;
	v59 =	vld [tilespmem:s30+$0xFFFFFF50];
	v60 =	vadd.s32 v6, v47  }
0x81: {  	v57 =	vld [tilespmem:s30+$0x80];
	[tilespmem:v62+s20+$0x0] =	vst.idx.msk $0xffff, v61;
	v58 =	vadd.s32 v25, v35  }
0x82: {  	v61 =	vld [tilespmem:s30+$0xFFFFFF90];
	v62 =	vadd.s32 v10, v40;
	[tilespmem:v63+s20+$0x0] =	vst.idx.msk $0xffff, v33  }
0x83: {  	v33 =	vld [tilespmem:s30+$0xFFFFFFD0];
	v63 =	vadd.s32 v14, v42;
	[tilespmem:v56+s20+$0x0] =	vst.idx.msk $0xffff, v34  }
0x84: {  	v56 =	vadd.s32 v18, v44;
	[tilespmem:v49+s20+$0x0] =	vst.idx.msk $0xffff, v39;
	v49 =	vld [tilespmem:s30+$0x10]  }
0x85: {  	[tilespmem:v60+s20+$0x0] =	vst.idx.msk $0xffff, v59;
	v39 =	vadd.s32 v31, v41;
	v34 =	vld [tilespmem:s30+$0xE0]  }
0x86: {  	[tilespmem:v58+s20+$0x0] =	vst.idx.msk $0xffff, v57;
	v57 =	vld [tilespmem:s30+$0x50];
	v58 =	vadd.s32 v22, v38  }
0x87: {  	[tilespmem:v62+s20+$0x0] =	vst.idx.msk $0xffff, v61;
	v61 =	vld [tilespmem:s30+$0xFFFFFF10];
	v62 =	vadd.s32 v2, v45  }
0x88: {  	v60 =	vadd.s32 v26, v35;
	v59 =	vld [tilespmem:s30+$0x90];
	[tilespmem:v63+s20+$0x0] =	vst.idx.msk $0xffff, v33  }
0x89: {  	v55 =	vadd.s32 v11, v40;
	v54 =	vadd.s32 v32, v41;
	v41 =	vld [tilespmem:s30+$0xFFFFFFA0];
	[tilespmem:v56+s20+$0x0] =	vst.idx.msk $0xffff, v49  }
0x8a: {  	v53 =	vadd.s32 v7, v47;
	v63 =	vld [tilespmem:s30+$0xFFFFFF60];
	[tilespmem:v39+s20+$0x0] =	vst.idx.msk $0xffff, v34  }
0x8b: {  	v56 =	vld [tilespmem:s30+$0xFFFFFFE0];
	[tilespmem:v58+s20+$0x0] =	vst.idx.msk $0xffff, v57;
	v57 =	vadd.s32 v15, v42  }
0x8c: {  	[tilespmem:v62+s20+$0x0] =	vst.idx.msk $0xffff, v61;
	v34 =	vld [tilespmem:s30+$0xF0]  }
0x8d: {  	v58 =	vld [tilespmem:s30+$0x20];
	[tilespmem:v60+s20+$0x0] =	vst.idx.msk $0xffff, v59;
	v59 =	vadd.s32 v19, v44  }
0x8e: {  	v61 =	vadd.s32 v23, v38;
	[tilespmem:v55+s20+$0x0] =	vst.idx.msk $0xffff, v41;
	v60 =	vld [tilespmem:s30+$0x60]  }
0x8f: {  	[tilespmem:v53+s20+$0x0] =	vst.idx.msk $0xffff, v63;
	v63 =	vadd.s32 v27, v35;
	v62 =	vld [tilespmem:s30+$0xA0]  }
0x90: {  	v47 =	vadd.s32 v8, v47;
	v55 =	vld [tilespmem:s30+$0xFFFFFF70];
	[tilespmem:v57+s20+$0x0] =	vst.idx.msk $0xffff, v56  }
0x91: {  	v53 =	vld [tilespmem:s30+$0xFFFFFF20];
	[tilespmem:v54+s20+$0x0] =	vst.idx.msk $0xffff, v34;
	v54 =	vadd.s32 v3, v45  }
0x92: {  	v40 =	vadd.s32 v12, v40;
	v56 =	vld [tilespmem:s30+$0xFFFFFFB0];
	[tilespmem:v59+s20+$0x0] =	vst.idx.msk $0xffff, v58  }
0x93: {  	v42 =	vadd.s32 v16, v42;
	v57 =	vld [tilespmem:s30+$0xFFFFFFF0];
	[tilespmem:v61+s20+$0x0] =	vst.idx.msk $0xffff, v60  }
0x94: {  	v59 =	vadd.s32 v20, v44;
	v58 =	vld [tilespmem:s30+$0x30];
	[tilespmem:v63+s20+$0x0] =	vst.idx.msk $0xffff, v62  }
0x95: {  	v38 =	vadd.s32 v24, v38;
	v60 =	vld [tilespmem:s30+$0x70];
	[tilespmem:v47+s20+$0x0] =	vst.idx.msk $0xffff, v55  }
0x96: {  	v35 =	vadd.s32 v28, v35;
	v61 =	vld [tilespmem:s30+$0xB0];
	[tilespmem:v54+s20+$0x0] =	vst.idx.msk $0xffff, v53  }
0x97: {  	v63 =	vadd.s32 v4, v45;
	[tilespmem:v40+s20+$0x0] =	vst.idx.msk $0xffff, v56;
	v62 =	vld [tilespmem:s30+$0xFFFFFF30]  }
0x98: {  	[tilespmem:v42+s20+$0x0] =	vst.idx.msk $0xffff, v57  }
0x99: {  	s1 =	sshll.u32 s26, $0x13;
	[tilespmem:v59+s20+$0x0] =	vst.idx.msk $0xffff, v58  }
0x9a: {  	s1 =	sor.u32 s6, s1;
	[tilespmem:v38+s20+$0x0] =	vst.idx.msk $0xffff, v60  }
0x9b: {  	s29 =	sshrl.u32 s1, $0x3;
	[tilespmem:v35+s20+$0x0] =	vst.idx.msk $0xffff, v61  }
0x9c: {  	s1 =	sadd.s32 s2, s29;
	[tilespmem:v63+s20+$0x0] =	vst.idx.msk $0xffff, v62  }
0x9d: {  	[hbm4b:s1+s3] =	stream.linear.scatter [tilespmem:s20], [sflag:$0x3], $0x80, $0x38;
	[tilespmem:$0x9D00] =	vst v63  }
0x9e: {  	s31 =	simm.s32 $0x5988;
	s30 =	sadd.s32 $0x10, s1  }
0x9f: {  	[hbm4b:s30+s3] =	stream.linear.scatter [tilespmem:s31], [sflag:$0x3], $0x80, $0x38;
	[tilespmem:$0x9D00] =	vst v63  }
0xa0: {  	s30 =	sadd.s32 $0x20, s1;
	s31 =	simm.s32 $0x5A10  }
0xa1: {  	[hbm4b:s30+s3] =	stream.linear.scatter [tilespmem:s31], [sflag:$0x3], $0x80, $0x38;
	[tilespmem:$0x9D00] =	vst v63  }
0xa2: {  	s30 =	sadd.s32 $0x30, s1;
	s31 =	simm.s32 $0x5A98  }
0xa3: {  	[hbm4b:s30+s3] =	stream.linear.scatter [tilespmem:s31], [sflag:$0x3], $0x80, $0x38;
	[tilespmem:$0x9D00] =	vst v63  }
0xa4: {  	s30 =	sadd.s32 $0x40, s1;
	s31 =	simm.s32 $0x5B20  }
0xa5: {  	[hbm4b:s30+s3] =	stream.linear.scatter [tilespmem:s31], [sflag:$0x3], $0x80, $0x38;
	[tilespmem:$0x9D00] =	vst v63  }
0xa6: {  	s30 =	sadd.s32 $0x50, s1;
	s31 =	simm.s32 $0x5BA8  }
0xa7: {  	[hbm4b:s30+s3] =	stream.linear.scatter [tilespmem:s31], [sflag:$0x3], $0x80, $0x38;
	[tilespmem:$0x9D00] =	vst v63  }
0xa8: {  	s30 =	sadd.s32 $0x60, s1;
	s31 =	simm.s32 $0x5C30  }
0xa9: {  	[hbm4b:s30+s3] =	stream.linear.scatter [tilespmem:s31], [sflag:$0x3], $0x80, $0x38;
	[tilespmem:$0x9D00] =	vst v63  }
0xaa: {  	s1 =	sadd.s32 $0x70, s1;
	s31 =	simm.s32 $0x5CB8  }
0xab: {  	[hbm4b:s1+s3] =	stream.linear.scatter [tilespmem:s31], [sflag:$0x3], $0x80, $0x38;
	[tilespmem:$0x9D00] =	vst v63  }
0xac: {  	s1 =	sadd.s32 s29, s7;
	s31 =	simm.s32 $0x5D40  }
0xad: {  	[hbm4b:s1+s3] =	stream.linear.scatter [tilespmem:s31], [sflag:$0x3], $0x80, $0x38;
	[tilespmem:$0x9D00] =	vst v63  }
0xae: {  	s30 =	sadd.s32 $0x10, s1;
	s31 =	simm.s32 $0x5DC8  }
0xaf: {  	[hbm4b:s30+s3] =	stream.linear.scatter [tilespmem:s31], [sflag:$0x3], $0x80, $0x38;
	[tilespmem:$0x9D00] =	vst v63  }
0xb0: {  	s30 =	sadd.s32 $0x20, s1;
	s31 =	simm.s32 $0x5E50  }
0xb1: {  	[hbm4b:s30+s3] =	stream.linear.scatter [tilespmem:s31], [sflag:$0x3], $0x80, $0x38;
	[tilespmem:$0x9D00] =	vst v63  }
0xb2: {  	s30 =	sadd.s32 $0x30, s1;
	s31 =	simm.s32 $0x5ED8  }
0xb3: {  	[hbm4b:s30+s3] =	stream.linear.scatter [tilespmem:s31], [sflag:$0x3], $0x80, $0x38;
	[tilespmem:$0x9D00] =	vst v63  }
0xb4: {  	s30 =	sadd.s32 $0x40, s1;
	s31 =	simm.s32 $0x5F60  }
0xb5: {  	[hbm4b:s30+s3] =	stream.linear.scatter [tilespmem:s31], [sflag:$0x3], $0x80, $0x38;
	[tilespmem:$0x9D00] =	vst v63  }
0xb6: {  	s30 =	sadd.s32 $0x50, s1;
	s31 =	simm.s32 $0x5FE8  }
0xb7: {  	[hbm4b:s30+s3] =	stream.linear.scatter [tilespmem:s31], [sflag:$0x3], $0x80, $0x38;
	[tilespmem:$0x9D00] =	vst v63  }
0xb8: {  	s30 =	sadd.s32 $0x60, s1;
	s31 =	simm.s32 $0x6070  }
0xb9: {  	[hbm4b:s30+s3] =	stream.linear.scatter [tilespmem:s31], [sflag:$0x3], $0x80, $0x38;
	[tilespmem:$0x9D00] =	vst v63  }
0xba: {  	s1 =	sadd.s32 $0x70, s1;
	s31 =	simm.s32 $0x60F8  }
0xbb: {  	[hbm4b:s1+s3] =	stream.linear.scatter [tilespmem:s31], [sflag:$0x3], $0x80, $0x38;
	[tilespmem:$0x9D00] =	vst v63  }
0xbc: {  	s1 =	sadd.s32 s29, s8;
	s31 =	simm.s32 $0x6180  }
0xbd: {  	[hbm4b:s1+s3] =	stream.linear.scatter [tilespmem:s31], [sflag:$0x3], $0x80, $0x38;
	[tilespmem:$0x9D00] =	vst v63  }
0xbe: {  	s30 =	sadd.s32 $0x10, s1;
	s31 =	simm.s32 $0x6208  }
0xbf: {  	[hbm4b:s30+s3] =	stream.linear.scatter [tilespmem:s31], [sflag:$0x3], $0x80, $0x38;
	[tilespmem:$0x9D00] =	vst v63  }
0xc0: {  	s30 =	sadd.s32 $0x20, s1;
	s31 =	simm.s32 $0x6290  }
0xc1: {  	[hbm4b:s30+s3] =	stream.linear.scatter [tilespmem:s31], [sflag:$0x3], $0x80, $0x38;
	[tilespmem:$0x9D00] =	vst v63  }
0xc2: {  	s30 =	sadd.s32 $0x30, s1;
	s31 =	simm.s32 $0x6318  }
0xc3: {  	[hbm4b:s30+s3] =	stream.linear.scatter [tilespmem:s31], [sflag:$0x3], $0x80, $0x38;
	[tilespmem:$0x9D00] =	vst v63  }
0xc4: {  	s30 =	sadd.s32 $0x40, s1;
	s31 =	simm.s32 $0x63A0  }
0xc5: {  	[hbm4b:s30+s3] =	stream.linear.scatter [tilespmem:s31], [sflag:$0x3], $0x80, $0x38;
	[tilespmem:$0x9D00] =	vst v63  }
0xc6: {  	s30 =	sadd.s32 $0x50, s1;
	s31 =	simm.s32 $0x6428  }
0xc7: {  	[hbm4b:s30+s3] =	stream.linear.scatter [tilespmem:s31], [sflag:$0x3], $0x80, $0x38;
	[tilespmem:$0x9D00] =	vst v63  }
0xc8: {  	s30 =	sadd.s32 $0x60, s1;
	s31 =	simm.s32 $0x64B0  }
0xc9: {  	[hbm4b:s30+s3] =	stream.linear.scatter [tilespmem:s31], [sflag:$0x3], $0x80, $0x38;
	[tilespmem:$0x9D00] =	vst v63  }
0xca: {  	s1 =	sadd.s32 $0x70, s1;
	s31 =	simm.s32 $0x6538  }
0xcb: {  	[hbm4b:s1+s3] =	stream.linear.scatter [tilespmem:s31], [sflag:$0x3], $0x80, $0x38;
	[tilespmem:$0x9D00] =	vst v63  }
0xcc: {  	s1 =	sadd.s32 s29, s9;
	s31 =	simm.s32 $0x65C0  }
0xcd: {  	[hbm4b:s1+s3] =	stream.linear.scatter [tilespmem:s31], [sflag:$0x3], $0x80, $0x38;
	[tilespmem:$0x9D00] =	vst v63  }
0xce: {  	s30 =	sadd.s32 $0x10, s1;
	s31 =	simm.s32 $0x6648  }
0xcf: {  	[hbm4b:s30+s3] =	stream.linear.scatter [tilespmem:s31], [sflag:$0x3], $0x80, $0x38;
	[tilespmem:$0x9D00] =	vst v63  }
0xd0: {  	s30 =	sadd.s32 $0x20, s1;
	s31 =	simm.s32 $0x66D0  }
0xd1: {  	[hbm4b:s30+s3] =	stream.linear.scatter [tilespmem:s31], [sflag:$0x3], $0x80, $0x38;
	[tilespmem:$0x9D00] =	vst v63  }
0xd2: {  	s30 =	sadd.s32 $0x30, s1;
	s31 =	simm.s32 $0x6758  }
0xd3: {  	[hbm4b:s30+s3] =	stream.linear.scatter [tilespmem:s31], [sflag:$0x3], $0x80, $0x38;
	[tilespmem:$0x9D00] =	vst v63  }
0xd4: {  	s30 =	sadd.s32 $0x40, s1;
	s31 =	simm.s32 $0x67E0  }
0xd5: {  	[hbm4b:s30+s3] =	stream.linear.scatter [tilespmem:s31], [sflag:$0x3], $0x80, $0x38;
	[tilespmem:$0x9D00] =	vst v63  }
0xd6: {  	s30 =	sadd.s32 $0x50, s1;
	s31 =	simm.s32 $0x6868  }
0xd7: {  	[hbm4b:s30+s3] =	stream.linear.scatter [tilespmem:s31], [sflag:$0x3], $0x80, $0x38;
	[tilespmem:$0x9D00] =	vst v63  }
0xd8: {  	s30 =	sadd.s32 $0x60, s1;
	s31 =	simm.s32 $0x68F0  }
0xd9: {  	[hbm4b:s30+s3] =	stream.linear.scatter [tilespmem:s31], [sflag:$0x3], $0x80, $0x38;
	[tilespmem:$0x9D00] =	vst v63  }
0xda: {  	s1 =	sadd.s32 $0x70, s1;
	s31 =	simm.s32 $0x6978  }
0xdb: {  	[hbm4b:s1+s3] =	stream.linear.scatter [tilespmem:s31], [sflag:$0x3], $0x80, $0x38;
	[tilespmem:$0x9D00] =	vst v63  }
0xdc: {  	s1 =	sadd.s32 s29, s10;
	s31 =	simm.s32 $0x6A00  }
0xdd: {  	[hbm4b:s1+s3] =	stream.linear.scatter [tilespmem:s31], [sflag:$0x3], $0x80, $0x38;
	[tilespmem:$0x9D00] =	vst v63  }
0xde: {  	s30 =	sadd.s32 $0x10, s1;
	s31 =	simm.s32 $0x6A88  }
0xdf: {  	[hbm4b:s30+s3] =	stream.linear.scatter [tilespmem:s31], [sflag:$0x3], $0x80, $0x38;
	[tilespmem:$0x9D00] =	vst v63  }
0xe0: {  	s30 =	sadd.s32 $0x20, s1;
	s31 =	simm.s32 $0x6B10  }
0xe1: {  	[hbm4b:s30+s3] =	stream.linear.scatter [tilespmem:s31], [sflag:$0x3], $0x80, $0x38;
	[tilespmem:$0x9D00] =	vst v63  }
0xe2: {  	s30 =	sadd.s32 $0x30, s1;
	s31 =	simm.s32 $0x6B98  }
0xe3: {  	[hbm4b:s30+s3] =	stream.linear.scatter [tilespmem:s31], [sflag:$0x3], $0x80, $0x38;
	[tilespmem:$0x9D00] =	vst v63  }
0xe4: {  	s30 =	sadd.s32 $0x40, s1;
	s31 =	simm.s32 $0x6C20  }
0xe5: {  	[hbm4b:s30+s3] =	stream.linear.scatter [tilespmem:s31], [sflag:$0x3], $0x80, $0x38;
	[tilespmem:$0x9D00] =	vst v63  }
0xe6: {  	s30 =	sadd.s32 $0x50, s1;
	s31 =	simm.s32 $0x6CA8  }
0xe7: {  	[hbm4b:s30+s3] =	stream.linear.scatter [tilespmem:s31], [sflag:$0x3], $0x80, $0x38;
	[tilespmem:$0x9D00] =	vst v63  }
0xe8: {  	s30 =	sadd.s32 $0x60, s1;
	s31 =	simm.s32 $0x6D30  }
0xe9: {  	[hbm4b:s30+s3] =	stream.linear.scatter [tilespmem:s31], [sflag:$0x3], $0x80, $0x38;
	[tilespmem:$0x9D00] =	vst v63  }
0xea: {  	s1 =	sadd.s32 $0x70, s1;
	s31 =	simm.s32 $0x6DB8  }
0xeb: {  	[hbm4b:s1+s3] =	stream.linear.scatter [tilespmem:s31], [sflag:$0x3], $0x80, $0x38;
	[tilespmem:$0x9D00] =	vst v63  }
0xec: {  	s1 =	sadd.s32 s29, s11;
	s31 =	simm.s32 $0x6E40  }
0xed: {  	[hbm4b:s1+s3] =	stream.linear.scatter [tilespmem:s31], [sflag:$0x3], $0x80, $0x38;
	[tilespmem:$0x9D00] =	vst v63  }
0xee: {  	s30 =	sadd.s32 $0x10, s1;
	s31 =	simm.s32 $0x6EC8  }
0xef: {  	[hbm4b:s30+s3] =	stream.linear.scatter [tilespmem:s31], [sflag:$0x3], $0x80, $0x38;
	[tilespmem:$0x9D00] =	vst v63  }
0xf0: {  	s30 =	sadd.s32 $0x20, s1;
	s31 =	simm.s32 $0x6F50  }
0xf1: {  	[hbm4b:s30+s3] =	stream.linear.scatter [tilespmem:s31], [sflag:$0x3], $0x80, $0x38;
	[tilespmem:$0x9D00] =	vst v63  }
0xf2: {  	s30 =	sadd.s32 $0x30, s1;
	s31 =	simm.s32 $0x6FD8  }
0xf3: {  	[hbm4b:s30+s3] =	stream.linear.scatter [tilespmem:s31], [sflag:$0x3], $0x80, $0x38;
	[tilespmem:$0x9D00] =	vst v63  }
0xf4: {  	s30 =	sadd.s32 $0x40, s1;
	s31 =	simm.s32 $0x7060  }
0xf5: {  	[hbm4b:s30+s3] =	stream.linear.scatter [tilespmem:s31], [sflag:$0x3], $0x80, $0x38;
	[tilespmem:$0x9D00] =	vst v63  }
0xf6: {  	s30 =	sadd.s32 $0x50, s1;
	s31 =	simm.s32 $0x70E8  }
0xf7: {  	[hbm4b:s30+s3] =	stream.linear.scatter [tilespmem:s31], [sflag:$0x3], $0x80, $0x38;
	[tilespmem:$0x9D00] =	vst v63  }
0xf8: {  	s30 =	sadd.s32 $0x60, s1;
	s31 =	simm.s32 $0x7170  }
0xf9: {  	[hbm4b:s30+s3] =	stream.linear.scatter [tilespmem:s31], [sflag:$0x3], $0x80, $0x38;
	[tilespmem:$0x9D00] =	vst v63  }
0xfa: {  	s1 =	sadd.s32 $0x70, s1;
	s31 =	simm.s32 $0x71F8  }
0xfb: {  	[hbm4b:s1+s3] =	stream.linear.scatter [tilespmem:s31], [sflag:$0x3], $0x80, $0x38;
	[tilespmem:$0x9D00] =	vst v63  }
0xfc: {  	s1 =	sadd.s32 s29, s12;
	s31 =	simm.s32 $0x7280  }
0xfd: {  	[hbm4b:s1+s3] =	stream.linear.scatter [tilespmem:s31], [sflag:$0x3], $0x80, $0x38;
	[tilespmem:$0x9D00] =	vst v63  }
0xfe: {  	s30 =	sadd.s32 $0x10, s1;
	s31 =	simm.s32 $0x7308  }
0xff: {  	[hbm4b:s30+s3] =	stream.linear.scatter [tilespmem:s31], [sflag:$0x3], $0x80, $0x38;
	[tilespmem:$0x9D00] =	vst v63  }
0x100: {  	s30 =	sadd.s32 $0x20, s1;
	s31 =	simm.s32 $0x7390  }
0x101: {  	[hbm4b:s30+s3] =	stream.linear.scatter [tilespmem:s31], [sflag:$0x3], $0x80, $0x38;
	[tilespmem:$0x9D00] =	vst v63  }
0x102: {  	s30 =	sadd.s32 $0x30, s1;
	s31 =	simm.s32 $0x7418  }
0x103: {  	[hbm4b:s30+s3] =	stream.linear.scatter [tilespmem:s31], [sflag:$0x3], $0x80, $0x38;
	[tilespmem:$0x9D00] =	vst v63  }
0x104: {  	s30 =	sadd.s32 $0x40, s1;
	s31 =	simm.s32 $0x74A0  }
0x105: {  	[hbm4b:s30+s3] =	stream.linear.scatter [tilespmem:s31], [sflag:$0x3], $0x80, $0x38;
	[tilespmem:$0x9D00] =	vst v63  }
0x106: {  	s30 =	sadd.s32 $0x50, s1;
	s31 =	simm.s32 $0x7528  }
0x107: {  	[hbm4b:s30+s3] =	stream.linear.scatter [tilespmem:s31], [sflag:$0x3], $0x80, $0x38;
	[tilespmem:$0x9D00] =	vst v63  }
0x108: {  	s30 =	sadd.s32 $0x60, s1;
	s31 =	simm.s32 $0x75B0  }
0x109: {  	[hbm4b:s30+s3] =	stream.linear.scatter [tilespmem:s31], [sflag:$0x3], $0x80, $0x38;
	[tilespmem:$0x9D00] =	vst v63  }
0x10a: {  	s1 =	sadd.s32 $0x70, s1;
	s31 =	simm.s32 $0x7638  }
0x10b: {  	[hbm4b:s1+s3] =	stream.linear.scatter [tilespmem:s31], [sflag:$0x3], $0x80, $0x38;
	[tilespmem:$0x9D00] =	vst v63  }
0x10c: {  	s30 =	simm.s32 $0x76C0;
	s1 =	sadd.s32 s29, s13  }
0x10d: {  	[hbm4b:s1+s3] =	stream.linear.scatter [tilespmem:s30], [sflag:$0x3], $0x80, $0x38;
	[tilespmem:$0x9D00] =	vst v63  }
0x10e: {  	s31 =	simm.s32 $0x7748;
	s29 =	sadd.s32 $0x10, s1  }
0x10f: {  	[hbm4b:s29+s3] =	stream.linear.scatter [tilespmem:s31], [sflag:$0x3], $0x80, $0x38;
	[tilespmem:$0x9D00] =	vst v63  }
0x110: {  	s29 =	sadd.s32 $0x20, s1;
	s31 =	simm.s32 $0x77D0  }
0x111: {  	[hbm4b:s29+s3] =	stream.linear.scatter [tilespmem:s31], [sflag:$0x3], $0x80, $0x38;
	[tilespmem:$0x9D00] =	vst v63  }
0x112: {  	s29 =	sadd.s32 $0x30, s1;
	s31 =	simm.s32 $0x7858  }
0x113: {  	[hbm4b:s29+s3] =	stream.linear.scatter [tilespmem:s31], [sflag:$0x3], $0x80, $0x38;
	[tilespmem:$0x9D00] =	vst v63  }
0x114: {  	s29 =	sadd.s32 $0x40, s1;
	s31 =	simm.s32 $0x78E0  }
0x115: {  	[hbm4b:s29+s3] =	stream.linear.scatter [tilespmem:s31], [sflag:$0x3], $0x80, $0x38;
	[tilespmem:$0x9D00] =	vst v63  }
0x116: {  	p1 =	sne.s32 s26, $0x18;
	s29 =	sadd.s32 $0x50, s1;
	s31 =	simm.s32 $0x7968  }
0x117: {  	[hbm4b:s29+s3] =	stream.linear.scatter [tilespmem:s31], [sflag:$0x3], $0x80, $0x38;
	[tilespmem:$0x9D00] =	vst v63  }
.Ltmp1:
0x118: {  	_ = 	snop;
	(pc) =	sbr.rel @p1 .LBB2_6-.Ltmp1, $4  }
0x119: {  	s29 =	sadd.s32 $0x60, s1;
	s31 =	simm.s32 $0x79F0  }
0x11a: {  	[hbm4b:s29+s3] =	stream.linear.scatter [tilespmem:s31], [sflag:$0x3], $0x80, $0x38;
	[tilespmem:$0x9D00] =	vst v63  }
0x11b: {  	s1 =	sadd.s32 $0x70, s1;
	s31 =	simm.s32 $0x7A78  }
0x11c: {  	[hbm4b:s1+s3] =	stream.linear.scatter [tilespmem:s31], [sflag:$0x3], $0x80, $0x38;
	[tilespmem:$0x9D00] =	vst v63  }
.Ltmp2:
0x11d: {  	(pc) =	sbr.rel .LBB2_7-.Ltmp2, $4  }
0x11e: {  	_ = 	snop  }
0x11f: {  	_ =	swait.ge [sflag:s5], $0x2000  }
0x120: {  	[sflag:s5] =	ssyncset.done $0x0  }
0x121: {  	[sflag:s5] =	ssyncadd.s32 $0xFFFFE000  }
.LBB2_6:
0x122: {  	s1 =	sshll.u32 s26, $0x8  }
0x123: {  	s1 =	sand.u32 $0x3FFFFF00, s1  }
.Ltmp3:
0x124: {  	s29 =	simm.s32 $0x1900;
	s1 =	sadd.s32 $0x100, s1;
	(pc) =	sbr.rel @p0 .LBB2_8-.Ltmp3, $4  }
0x125: {  	[tilespmem:s29], [sflag:$0x1] =	stream.indirect.gather [hbm4b:s4+s16], $0x40, s1, s16, $0xb8;
	[tilespmem:$0x9D00] =	vst v63  }
0x126: {  	_ =	swait.ge [sflag:s5], $0x2000  }
0x127: {  	[sflag:s5] =	ssyncset.done $0x0  }
0x128: {  	[sflag:s5] =	ssyncadd.s32 $0xFFFFE000  }
.LBB2_7:
0x129: {  	_ =	swait.ge [sflag:s14], $0x400  }
0x12a: {  	[sflag:s14] =	ssyncset.done $0x0  }
0x12b: {  	[sflag:s14] =	ssyncadd.s32 $0xFFFFFC00  }
0x12c: {  	_ =	swait.ge [sflag:s14], $0x400  }
0x12d: {  	[sflag:s14] =	ssyncset.done $0x0  }
0x12e: {  	[sflag:s14] =	ssyncadd.s32 $0xFFFFFC00  }
0x12f: {  	_ =	swait.ge [sflag:s14], $0x400  }
0x130: {  	[sflag:s14] =	ssyncset.done $0x0  }
0x131: {  	[sflag:s14] =	ssyncadd.s32 $0xFFFFFC00  }
0x132: {  	_ =	swait.ge [sflag:s14], $0x400  }
0x133: {  	[sflag:s14] =	ssyncset.done $0x0  }
0x134: {  	[sflag:s14] =	ssyncadd.s32 $0xFFFFFC00  }
0x135: {  	_ =	swait.ge [sflag:s14], $0x400  }
0x136: {  	[sflag:s14] =	ssyncset.done $0x0  }
0x137: {  	[sflag:s14] =	ssyncadd.s32 $0xFFFFFC00  }
0x138: {  	_ =	swait.ge [sflag:s14], $0x400  }
0x139: {  	[sflag:s14] =	ssyncset.done $0x0  }
0x13a: {  	[sflag:s14] =	ssyncadd.s32 $0xFFFFFC00  }
0x13b: {  	_ =	swait.ge [sflag:s14], $0x400  }
0x13c: {  	[sflag:s14] =	ssyncset.done $0x0  }
0x13d: {  	[sflag:s14] =	ssyncadd.s32 $0xFFFFFC00  }
0x13e: {  	_ =	swait.ge [sflag:s14], $0x400  }
0x13f: {  	[sflag:s14] =	ssyncset.done $0x0  }
0x140: {  	[sflag:s14] =	ssyncadd.s32 $0xFFFFFC00  }
.LBB2_8:
0x141: {  	s1 =	simm.s32 $0x0;
	s29 =	simm.s32 $0x2  }
0x142: {  	s30 =	simm.s32 $0x7;
	v33 =	vmov s1;
	s1 =	simm.s32 $0x1;
	v35 =	vmov s29  }
0x143: {  	s29 =	simm.s32 $0x4;
	v38 =	vmov s30;
	v33 =	vshrl.u32 v33, $0x3;
	v34 =	vmov s1  }
0x144: {  	s1 =	simm.s32 $0x3;
	v37 =	vmov s29;
	v38 =	vshrl.u32 v38, $0x3;
	v35 =	vshrl.u32 v35, $0x3  }
0x145: {  	v36 =	vmov s1;
	v33 =	vshll.u32 v33, v1;
	v34 =	vshrl.u32 v34, $0x3  }
0x146: {  	s1 =	simm.s32 $0x5;
	v38 =	vshll.u32 v38, v1;
	v37 =	vshrl.u32 v37, $0x3;
	v52 =	vshll.u32 v35, v1  }
0x147: {  	v39 =	vmov s1;
	v36 =	vshrl.u32 v36, $0x3;
	v38 =	vbroadcast v38, $0x0  }
0x148: {  	s29 =	simm.s32 $0x3A00;
	s1 =	simm.s32 $0x6;
	v33 =	vbroadcast v33, $0x0;
	v34 =	vshll.u32 v34, v1;
	v52 =	vbroadcast v52, $0x0  }
0x149: {  	v41 =	vld [tilespmem:s29+$0xC0];
	v54 =	vshll.u32 v37, v1;
	v40 =	vmov s1;
	v42 =	vadd.s32 v29, v38  }
0x14a: {  	v43 =	vld [tilespmem:s29+$0xFFFFFF00];
	v45 =	vbroadcast v34, $0x0;
	v53 =	vshll.u32 v36, v1;
	v44 =	vadd.s32 v0, v33  }
0x14b: {  	v48 =	vld [tilespmem:s29+$0xFFFFFF80];
	v34 =	vbroadcast v54, $0x0;
	v55 =	vshrl.u32 v39, $0x3;
	v49 =	vadd.s32 v9, v52  }
0x14c: {  	v46 =	vld [tilespmem:s29+$0xFFFFFF40];
	v35 =	vbroadcast v53, $0x0;
	v36 =	vshll.u32 v55, v1;
	v47 =	vadd.s32 v5, v45  }
0x14d: {  	v51 =	vld [tilespmem:s29+$0x0];
	v40 =	vshrl.u32 v40, $0x3;
	v53 =	vadd.s32 v17, v34;
	v37 =	vbroadcast v36, $0x0  }
0x14e: {  	v39 =	vld [tilespmem:s29+$0xFFFFFFC0];
	v56 =	vshll.u32 v40, v1;
	v50 =	vadd.s32 v13, v35;
	[tilespmem:v42+s15+$0x0] =	vst.idx.msk $0xffff, v41  }
0x14f: {  	v59 =	vld [tilespmem:s29+$0x40];
	v36 =	vbroadcast v56, $0x0;
	v60 =	vadd.s32 v21, v37;
	[tilespmem:v44+s15+$0x0] =	vst.idx.msk $0xffff, v43  }
0x150: {  	v58 =	vadd.s32 v30, v38;
	[tilespmem:v49+s15+$0x0] =	vst.idx.msk $0xffff, v48;
	v57 =	vld [tilespmem:s29+$0xD0]  }
0x151: {  	v61 =	vld [tilespmem:s29+$0x80];
	v62 =	vadd.s32 v25, v36;
	[tilespmem:v47+s15+$0x0] =	vst.idx.msk $0xffff, v46  }
0x152: {  	v55 =	vadd.s32 v10, v52;
	v54 =	vld [tilespmem:s29+$0xFFFFFF90];
	[tilespmem:v53+s15+$0x0] =	vst.idx.msk $0xffff, v51  }
0x153: {  	v63 =	vadd.s32 v6, v45;
	v47 =	vld [tilespmem:s29+$0xFFFFFF50];
	[tilespmem:v50+s15+$0x0] =	vst.idx.msk $0xffff, v39  }
0x154: {  	v56 =	vadd.s32 v14, v35;
	v50 =	vld [tilespmem:s29+$0xFFFFFFD0];
	[tilespmem:v60+s15+$0x0] =	vst.idx.msk $0xffff, v59  }
0x155: {  	v46 =	vadd.s32 v22, v37;
	v44 =	vld [tilespmem:s29+$0x50];
	[tilespmem:v58+s15+$0x0] =	vst.idx.msk $0xffff, v57  }
0x156: {  	[tilespmem:v62+s15+$0x0] =	vst.idx.msk $0xffff, v61;
	v57 =	vadd.s32 v31, v38;
	v40 =	vld [tilespmem:s29+$0xE0]  }
0x157: {  	v61 =	vld [tilespmem:s29+$0xFFFFFF10];
	v62 =	vadd.s32 v2, v33;
	[tilespmem:v55+s15+$0x0] =	vst.idx.msk $0xffff, v54  }
0x158: {  	v59 =	vadd.s32 v18, v34;
	v58 =	vld [tilespmem:s29+$0x10];
	[tilespmem:v63+s15+$0x0] =	vst.idx.msk $0xffff, v47  }
0x159: {  	v60 =	vadd.s32 v26, v36;
	v63 =	vld [tilespmem:s29+$0x90];
	[tilespmem:v56+s15+$0x0] =	vst.idx.msk $0xffff, v50  }
0x15a: {  	v51 =	vadd.s32 v7, v45;
	v50 =	vld [tilespmem:s29+$0xFFFFFF60];
	[tilespmem:v46+s15+$0x0] =	vst.idx.msk $0xffff, v44  }
0x15b: {  	v55 =	vld [tilespmem:s29+$0xFFFFFFA0];
	v56 =	vadd.s32 v11, v52;
	[tilespmem:v57+s15+$0x0] =	vst.idx.msk $0xffff, v40  }
0x15c: {  	v38 =	vadd.s32 v32, v38;
	[tilespmem:v62+s15+$0x0] =	vst.idx.msk $0xffff, v61;
	v54 =	vld [tilespmem:s29+$0xF0]  }
0x15d: {  	[tilespmem:v59+s15+$0x0] =	vst.idx.msk $0xffff, v58;
	v58 =	vadd.s32 v15, v35;
	v57 =	vld [tilespmem:s29+$0xFFFFFFE0]  }
0x15e: {  	s1 =	simm.s32 $0x8;
	[tilespmem:v60+s15+$0x0] =	vst.idx.msk $0xffff, v63;
	v59 =	vld [tilespmem:s29+$0x20];
	v60 =	vadd.s32 v19, v34  }
0x15f: {  	v41 =	vadd.s32 v23, v37;
	v63 =	vmov s1;
	s1 =	simm.s32 $0x9;
	v40 =	vld [tilespmem:s29+$0x60];
	[tilespmem:v51+s15+$0x0] =	vst.idx.msk $0xffff, v50  }
0x160: {  	s30 =	simm.s32 $0xB;
	v43 =	vadd.s32 v27, v36;
	v48 =	vadd.s32 v3, v33;
	v53 =	vmov s1;
	s1 =	simm.s32 $0xA;
	v42 =	vld [tilespmem:s29+$0xA0];
	[tilespmem:v56+s15+$0x0] =	vst.idx.msk $0xffff, v55  }
0x161: {  	v52 =	vadd.s32 v12, v52;
	v44 =	vmov s30;
	v46 =	vld [tilespmem:s29+$0xFFFFFF20];
	[tilespmem:v38+s15+$0x0] =	vst.idx.msk $0xffff, v54;
	v54 =	vmov s1;
	s1 =	simm.s32 $0xC  }
0x162: {  	s30 =	simm.s32 $0xD;
	v39 =	vshrl.u32 v63, $0x3;
	v51 =	vadd.s32 v8, v45;
	v49 =	vld [tilespmem:s29+$0xFFFFFF70];
	[tilespmem:v58+s15+$0x0] =	vst.idx.msk $0xffff, v57;
	v47 =	vmov s1;
	s1 =	simm.s32 $0xE  }
0x163: {  	s31 =	simm.s32 $0xF;
	v45 =	vshll.u32 v39, v1;
	v50 =	vld [tilespmem:s29+$0xFFFFFFB0];
	[tilespmem:v60+s15+$0x0] =	vst.idx.msk $0xffff, v59;
	v38 =	vmov s30;
	s30 =	simm.s32 $0x10;
	v39 =	vmov s1  }
.LBB2_9:
0x164: {  	p0 =	slt.u32 s30, $0x78;
	v53 =	vshrl.u32 v53, $0x3;
	v55 =	vmov s31;
	v56 =	vld [tilespmem:s29+$0xFFFFFFF0];
	v35 =	vadd.s32 v16, v35;
	[tilespmem:v41+s15+$0x0] =	vst.idx.msk $0xffff, v40  }
0x165: {  	v40 =	vshrl.u32 v54, $0x3;
	v34 =	vadd.s32 v20, v34;
	v41 =	vshrl.u32 v55, $0x3;
	v54 =	vld [tilespmem:s29+$0x30];
	[tilespmem:v43+s15+$0x0] =	vst.idx.msk $0xffff, v42  }
0x166: {  	v37 =	vadd.s32 v24, v37;
	v42 =	vshrl.u32 v44, $0x3;
	v41 =	vshll.u32 v41, v1;
	[tilespmem:v48+s15+$0x0] =	vst.idx.msk $0xffff, v46;
	v43 =	vld [tilespmem:s29+$0x70]  }
0x167: {  	v36 =	vadd.s32 v28, v36;
	v44 =	vshrl.u32 v47, $0x3;
	v41 =	vbroadcast v41, $0x0;
	[tilespmem:v51+s15+$0x0] =	vst.idx.msk $0xffff, v49;
	v46 =	vld [tilespmem:s29+$0xB0]  }
0x168: {  	v47 =	vshll.u32 v53, v1;
	v49 =	vadd.s32 v4, v33;
	v33 =	vbroadcast v45, $0x0;
	v48 =	vld [tilespmem:s29+$0xFFFFFF30];
	[tilespmem:v52+s15+$0x0] =	vst.idx.msk $0xffff, v50;
	s29 =	sadd.s32 $0x200, s29  }
0x169: {  	v40 =	vshll.u32 v40, v1;
	v45 =	vbroadcast v47, $0x0;
	v47 =	vld [tilespmem:s29+$0xC0];
	v50 =	vadd.s32 v29, v41;
	[tilespmem:v35+s15+$0x0] =	vst.idx.msk $0xffff, v56  }
0x16a: {  	v55 =	vbroadcast v40, $0x0;
	v52 =	vadd.s32 v0, v33;
	v35 =	vshll.u32 v42, v1;
	v51 =	vld [tilespmem:s29+$0xFFFFFF00];
	[tilespmem:v34+s15+$0x0] =	vst.idx.msk $0xffff, v54  }
0x16b: {  	v42 =	vadd.s32 v5, v45;
	v35 =	vbroadcast v35, $0x0;
	v34 =	vshll.u32 v44, v1;
	v40 =	vld [tilespmem:s29+$0xFFFFFF40];
	[tilespmem:v37+s15+$0x0] =	vst.idx.msk $0xffff, v43  }
0x16c: {  	v44 =	vadd.s32 v9, v55;
	v34 =	vbroadcast v34, $0x0;
	v37 =	vshrl.u32 v38, $0x3;
	v43 =	vld [tilespmem:s29+$0xFFFFFF80];
	[tilespmem:v36+s15+$0x0] =	vst.idx.msk $0xffff, v46  }
0x16d: {  	v39 =	vshrl.u32 v39, $0x3;
	v46 =	vadd.s32 v13, v35;
	v36 =	vshll.u32 v37, v1;
	v38 =	vld [tilespmem:s29+$0xFFFFFFC0];
	[tilespmem:v49+s15+$0x0] =	vst.idx.msk $0xffff, v48  }
0x16e: {  	v49 =	vadd.s32 v17, v34;
	v37 =	vbroadcast v36, $0x0;
	v36 =	vshll.u32 v39, v1;
	v48 =	vld [tilespmem:s29+$0x0];
	[tilespmem:v50+s15+$0x0] =	vst.idx.msk $0xffff, v47  }
0x16f: {  	v36 =	vbroadcast v36, $0x0;
	v47 =	vadd.s32 v30, v41;
	[tilespmem:v52+s15+$0x0] =	vst.idx.msk $0xffff, v51;
	v39 =	vld [tilespmem:s29+$0xD0]  }
0x170: {  	[tilespmem:v42+s15+$0x0] =	vst.idx.msk $0xffff, v40;
	v40 =	vld [tilespmem:s29+$0x40];
	v42 =	vadd.s32 v21, v37  }
0x171: {  	[tilespmem:v44+s15+$0x0] =	vst.idx.msk $0xffff, v43;
	v43 =	vld [tilespmem:s29+$0x80];
	v44 =	vadd.s32 v25, v36  }
0x172: {  	v51 =	vadd.s32 v6, v45;
	v50 =	vld [tilespmem:s29+$0xFFFFFF50];
	[tilespmem:v46+s15+$0x0] =	vst.idx.msk $0xffff, v38  }
0x173: {  	v46 =	vadd.s32 v10, v55;
	v38 =	vld [tilespmem:s29+$0xFFFFFF90];
	[tilespmem:v49+s15+$0x0] =	vst.idx.msk $0xffff, v48  }
0x174: {  	v49 =	vadd.s32 v14, v35;
	v48 =	vld [tilespmem:s29+$0xFFFFFFD0];
	[tilespmem:v47+s15+$0x0] =	vst.idx.msk $0xffff, v39  }
0x175: {  	[tilespmem:v42+s15+$0x0] =	vst.idx.msk $0xffff, v40;
	v39 =	vld [tilespmem:s29+$0xE0];
	v40 =	vadd.s32 v31, v41  }
0x176: {  	v47 =	vadd.s32 v18, v34;
	v42 =	vld [tilespmem:s29+$0x10];
	[tilespmem:v44+s15+$0x0] =	vst.idx.msk $0xffff, v43  }
0x177: {  	v44 =	vadd.s32 v22, v37;
	[tilespmem:v51+s15+$0x0] =	vst.idx.msk $0xffff, v50;
	v43 =	vld [tilespmem:s29+$0x50]  }
0x178: {  	[tilespmem:v46+s15+$0x0] =	vst.idx.msk $0xffff, v38;
	v38 =	vld [tilespmem:s29+$0x90];
	v46 =	vadd.s32 v26, v36  }
0x179: {  	v51 =	vadd.s32 v2, v33;
	v50 =	vld [tilespmem:s29+$0xFFFFFF10];
	[tilespmem:v49+s15+$0x0] =	vst.idx.msk $0xffff, v48  }
0x17a: {  	v49 =	vadd.s32 v7, v45;
	v48 =	vld [tilespmem:s29+$0xFFFFFF60];
	[tilespmem:v40+s15+$0x0] =	vst.idx.msk $0xffff, v39  }
0x17b: {  	[tilespmem:v47+s15+$0x0] =	vst.idx.msk $0xffff, v42;
	v39 =	vld [tilespmem:s29+$0xF0];
	v47 =	vadd.s32 v32, v41  }
0x17c: {  	v56 =	vadd.s32 v11, v55;
	v52 =	vld [tilespmem:s29+$0xFFFFFFA0];
	[tilespmem:v44+s15+$0x0] =	vst.idx.msk $0xffff, v43  }
0x17d: {  	v58 =	vadd.s32 v15, v35;
	v57 =	vld [tilespmem:s29+$0xFFFFFFE0];
	[tilespmem:v46+s15+$0x0] =	vst.idx.msk $0xffff, v38  }
0x17e: {  	v60 =	vadd.s32 v19, v34;
	[tilespmem:v51+s15+$0x0] =	vst.idx.msk $0xffff, v50;
	v59 =	vld [tilespmem:s29+$0x20]  }
.Ltmp4:
0x17f: {  	s1 =	sadd.s32 $0x1, s30;
	v41 =	vadd.s32 v23, v37;
	v38 =	vmov s30;
	[tilespmem:v49+s15+$0x0] =	vst.idx.msk $0xffff, v48;
	v40 =	vld [tilespmem:s29+$0x60];
	(pc) =	sbr.rel @p0 .LBB2_9-.Ltmp4, $4  }
0x180: {  	s31 =	sadd.s32 $0x3, s30;
	v53 =	vmov s1;
	s1 =	sadd.s32 $0x2, s30;
	v43 =	vadd.s32 v27, v36;
	v50 =	vshrl.u32 v38, $0x3;
	v42 =	vld [tilespmem:s29+$0xA0];
	[tilespmem:v47+s15+$0x0] =	vst.idx.msk $0xffff, v39  }
0x181: {  	v54 =	vmov s1;
	s1 =	sadd.s32 $0x4, s30;
	v44 =	vmov s31;
	s31 =	sadd.s32 $0x5, s30;
	v48 =	vadd.s32 v3, v33;
	v46 =	vld [tilespmem:s29+$0xFFFFFF20];
	[tilespmem:v56+s15+$0x0] =	vst.idx.msk $0xffff, v52  }
0x182: {  	v38 =	vmov s31;
	v51 =	vadd.s32 v8, v45;
	v47 =	vmov s1;
	s1 =	sadd.s32 $0x6, s30;
	v49 =	vld [tilespmem:s29+$0xFFFFFF70];
	[tilespmem:v58+s15+$0x0] =	vst.idx.msk $0xffff, v57  }
0x183: {  	s31 =	sadd.s32 $0x7, s30;
	v45 =	vshll.u32 v50, v1;
	s30 =	sadd.s32 $0x8, s30;
	v39 =	vmov s1;
	v52 =	vadd.s32 v12, v55;
	v50 =	vld [tilespmem:s29+$0xFFFFFFB0];
	[tilespmem:v60+s15+$0x0] =	vst.idx.msk $0xffff, v59  }
0x184: {  	_ =	sdelay $0x2  }
0x185: {  	v53 =	vshrl.u32 v53, $0x3  }
0x186: {  	v55 =	vmov s31;
	v56 =	vld [tilespmem:s29+$0xFFFFFFF0];
	v35 =	vadd.s32 v16, v35;
	[tilespmem:v41+s15+$0x0] =	vst.idx.msk $0xffff, v40;
	v57 =	vshrl.u32 v54, $0x3  }
0x187: {  	v59 =	vld [tilespmem:s29+$0x30];
	v34 =	vadd.s32 v20, v34;
	v60 =	vshrl.u32 v44, $0x3;
	v58 =	vshrl.u32 v55, $0x3;
	[tilespmem:v43+s15+$0x0] =	vst.idx.msk $0xffff, v42  }
0x188: {  	v37 =	vadd.s32 v24, v37;
	v62 =	vshrl.u32 v47, $0x3;
	v61 =	vld [tilespmem:s29+$0x70];
	v41 =	vshll.u32 v58, v1;
	[tilespmem:v48+s15+$0x0] =	vst.idx.msk $0xffff, v46  }
0x189: {  	v36 =	vadd.s32 v28, v36;
	v45 =	vbroadcast v45, $0x0;
	v63 =	vld [tilespmem:s29+$0xB0];
	v41 =	vbroadcast v41, $0x0;
	[tilespmem:v51+s15+$0x0] =	vst.idx.msk $0xffff, v49  }
0x18a: {  	v33 =	vadd.s32 v4, v33;
	s30 =	sadd.s32 $0x200, s29;
	v38 =	vshrl.u32 v38, $0x3;
	v55 =	vshll.u32 v53, v1;
	v48 =	vld [tilespmem:s29+$0xFFFFFF30];
	[tilespmem:v52+s15+$0x0] =	vst.idx.msk $0xffff, v50  }
0x18b: {  	v40 =	vshll.u32 v57, v1;
	v47 =	vbroadcast v55, $0x0;
	v49 =	vld [tilespmem:s30+$0xC0];
	v50 =	vadd.s32 v29, v41;
	[tilespmem:v35+s15+$0x0] =	vst.idx.msk $0xffff, v56  }
0x18c: {  	v42 =	vshll.u32 v60, v1;
	v40 =	vbroadcast v40, $0x0;
	v35 =	vld [tilespmem:s30+$0xFFFFFF00];
	v56 =	vadd.s32 v0, v45;
	[tilespmem:v34+s15+$0x0] =	vst.idx.msk $0xffff, v59  }
0x18d: {  	v57 =	vld [tilespmem:s30+$0xFFFFFF40];
	v44 =	vshll.u32 v62, v1;
	v42 =	vbroadcast v42, $0x0;
	v58 =	vadd.s32 v5, v47;
	[tilespmem:v37+s15+$0x0] =	vst.idx.msk $0xffff, v61  }
0x18e: {  	v38 =	vshll.u32 v38, v1;
	v44 =	vbroadcast v44, $0x0;
	v60 =	vadd.s32 v9, v40;
	v59 =	vld [tilespmem:s30+$0xFFFFFF80];
	[tilespmem:v36+s15+$0x0] =	vst.idx.msk $0xffff, v63  }
0x18f: {  	v38 =	vbroadcast v38, $0x0;
	v62 =	vadd.s32 v13, v42;
	v61 =	vld [tilespmem:s30+$0xFFFFFFC0];
	[tilespmem:v33+s15+$0x0] =	vst.idx.msk $0xffff, v48  }
0x190: {  	v39 =	vshrl.u32 v39, $0x3;
	v63 =	vadd.s32 v17, v44;
	v33 =	vld [tilespmem:s30+$0x0];
	[tilespmem:v50+s15+$0x0] =	vst.idx.msk $0xffff, v49  }
0x191: {  	v39 =	vshll.u32 v39, v1;
	v34 =	vld [tilespmem:s30+$0x40];
	[tilespmem:v56+s15+$0x0] =	vst.idx.msk $0xffff, v35;
	v56 =	vadd.s32 v21, v38  }
0x192: {  	[tilespmem:v58+s15+$0x0] =	vst.idx.msk $0xffff, v57;
	v35 =	vbroadcast v39, $0x0;
	v49 =	vadd.s32 v30, v41;
	v39 =	vld [tilespmem:s30+$0xD0]  }
0x193: {  	[tilespmem:v60+s15+$0x0] =	vst.idx.msk $0xffff, v59;
	v59 =	vld [tilespmem:s30+$0xFFFFFF50];
	v60 =	vadd.s32 v6, v47  }
0x194: {  	v57 =	vld [tilespmem:s30+$0x80];
	[tilespmem:v62+s15+$0x0] =	vst.idx.msk $0xffff, v61;
	v58 =	vadd.s32 v25, v35  }
0x195: {  	v61 =	vld [tilespmem:s30+$0xFFFFFF90];
	v62 =	vadd.s32 v10, v40;
	[tilespmem:v63+s15+$0x0] =	vst.idx.msk $0xffff, v33  }
0x196: {  	v33 =	vld [tilespmem:s30+$0xFFFFFFD0];
	v63 =	vadd.s32 v14, v42;
	[tilespmem:v56+s15+$0x0] =	vst.idx.msk $0xffff, v34  }
0x197: {  	v56 =	vadd.s32 v18, v44;
	[tilespmem:v49+s15+$0x0] =	vst.idx.msk $0xffff, v39;
	v49 =	vld [tilespmem:s30+$0x10]  }
0x198: {  	[tilespmem:v60+s15+$0x0] =	vst.idx.msk $0xffff, v59;
	v39 =	vadd.s32 v31, v41;
	v34 =	vld [tilespmem:s30+$0xE0]  }
0x199: {  	[tilespmem:v58+s15+$0x0] =	vst.idx.msk $0xffff, v57;
	v57 =	vld [tilespmem:s30+$0x50];
	v58 =	vadd.s32 v22, v38  }
0x19a: {  	[tilespmem:v62+s15+$0x0] =	vst.idx.msk $0xffff, v61;
	v61 =	vld [tilespmem:s30+$0xFFFFFF10];
	v62 =	vadd.s32 v2, v45  }
0x19b: {  	v60 =	vadd.s32 v26, v35;
	v59 =	vld [tilespmem:s30+$0x90];
	[tilespmem:v63+s15+$0x0] =	vst.idx.msk $0xffff, v33  }
0x19c: {  	v55 =	vadd.s32 v11, v40;
	v54 =	vadd.s32 v32, v41;
	v41 =	vld [tilespmem:s30+$0xFFFFFFA0];
	[tilespmem:v56+s15+$0x0] =	vst.idx.msk $0xffff, v49  }
0x19d: {  	v53 =	vadd.s32 v7, v47;
	v63 =	vld [tilespmem:s30+$0xFFFFFF60];
	[tilespmem:v39+s15+$0x0] =	vst.idx.msk $0xffff, v34  }
0x19e: {  	v56 =	vld [tilespmem:s30+$0xFFFFFFE0];
	[tilespmem:v58+s15+$0x0] =	vst.idx.msk $0xffff, v57;
	v57 =	vadd.s32 v15, v42  }
0x19f: {  	[tilespmem:v62+s15+$0x0] =	vst.idx.msk $0xffff, v61;
	v34 =	vld [tilespmem:s30+$0xF0]  }
0x1a0: {  	v58 =	vld [tilespmem:s30+$0x20];
	[tilespmem:v60+s15+$0x0] =	vst.idx.msk $0xffff, v59;
	v59 =	vadd.s32 v19, v44  }
0x1a1: {  	v61 =	vadd.s32 v23, v38;
	[tilespmem:v55+s15+$0x0] =	vst.idx.msk $0xffff, v41;
	v60 =	vld [tilespmem:s30+$0x60]  }
0x1a2: {  	[tilespmem:v53+s15+$0x0] =	vst.idx.msk $0xffff, v63;
	v63 =	vadd.s32 v27, v35;
	v62 =	vld [tilespmem:s30+$0xA0]  }
0x1a3: {  	v47 =	vadd.s32 v8, v47;
	v55 =	vld [tilespmem:s30+$0xFFFFFF70];
	[tilespmem:v57+s15+$0x0] =	vst.idx.msk $0xffff, v56  }
0x1a4: {  	v53 =	vld [tilespmem:s30+$0xFFFFFF20];
	[tilespmem:v54+s15+$0x0] =	vst.idx.msk $0xffff, v34;
	v54 =	vadd.s32 v3, v45  }
0x1a5: {  	v40 =	vadd.s32 v12, v40;
	v56 =	vld [tilespmem:s30+$0xFFFFFFB0];
	[tilespmem:v59+s15+$0x0] =	vst.idx.msk $0xffff, v58  }
0x1a6: {  	v42 =	vadd.s32 v16, v42;
	v57 =	vld [tilespmem:s30+$0xFFFFFFF0];
	[tilespmem:v61+s15+$0x0] =	vst.idx.msk $0xffff, v60  }
0x1a7: {  	v59 =	vadd.s32 v20, v44;
	v58 =	vld [tilespmem:s30+$0x30];
	[tilespmem:v63+s15+$0x0] =	vst.idx.msk $0xffff, v62  }
0x1a8: {  	v38 =	vadd.s32 v24, v38;
	v60 =	vld [tilespmem:s30+$0x70];
	[tilespmem:v47+s15+$0x0] =	vst.idx.msk $0xffff, v55  }
0x1a9: {  	v35 =	vadd.s32 v28, v35;
	v61 =	vld [tilespmem:s30+$0xB0];
	[tilespmem:v54+s15+$0x0] =	vst.idx.msk $0xffff, v53  }
0x1aa: {  	v63 =	vadd.s32 v4, v45;
	[tilespmem:v40+s15+$0x0] =	vst.idx.msk $0xffff, v56;
	v62 =	vld [tilespmem:s30+$0xFFFFFF30]  }
0x1ab: {  	[tilespmem:v42+s15+$0x0] =	vst.idx.msk $0xffff, v57  }
0x1ac: {  	s1 =	sshll.u32 s28, $0x12;
	[tilespmem:v59+s15+$0x0] =	vst.idx.msk $0xffff, v58  }
0x1ad: {  	s1 =	sor.u32 s6, s1;
	[tilespmem:v38+s15+$0x0] =	vst.idx.msk $0xffff, v60  }
0x1ae: {  	s28 =	sshrl.u32 s1, $0x3;
	[tilespmem:v35+s15+$0x0] =	vst.idx.msk $0xffff, v61  }
0x1af: {  	s1 =	sadd.s32 s2, s28;
	[tilespmem:v63+s15+$0x0] =	vst.idx.msk $0xffff, v62  }
0x1b0: {  	[hbm4b:s1+s3] =	stream.linear.scatter [tilespmem:s15], [sflag:$0x4], $0x80, $0x38;
	[tilespmem:$0x9D00] =	vst v63  }
0x1b1: {  	s31 =	sadd.s32 $0x10, s1;
	s30 =	simm.s32 $0x7B88  }
0x1b2: {  	[hbm4b:s31+s3] =	stream.linear.scatter [tilespmem:s30], [sflag:$0x4], $0x80, $0x38;
	[tilespmem:$0x9D00] =	vst v63  }
0x1b3: {  	s29 =	sadd.s32 $0x20, s1;
	s31 =	simm.s32 $0x7C10  }
0x1b4: {  	[hbm4b:s29+s3] =	stream.linear.scatter [tilespmem:s31], [sflag:$0x4], $0x80, $0x38;
	[tilespmem:$0x9D00] =	vst v63  }
0x1b5: {  	s29 =	sadd.s32 $0x30, s1;
	s31 =	simm.s32 $0x7C98  }
0x1b6: {  	[hbm4b:s29+s3] =	stream.linear.scatter [tilespmem:s31], [sflag:$0x4], $0x80, $0x38;
	[tilespmem:$0x9D00] =	vst v63  }
0x1b7: {  	s29 =	sadd.s32 $0x40, s1;
	s31 =	simm.s32 $0x7D20  }
0x1b8: {  	[hbm4b:s29+s3] =	stream.linear.scatter [tilespmem:s31], [sflag:$0x4], $0x80, $0x38;
	[tilespmem:$0x9D00] =	vst v63  }
0x1b9: {  	s29 =	sadd.s32 $0x50, s1;
	s31 =	simm.s32 $0x7DA8  }
0x1ba: {  	[hbm4b:s29+s3] =	stream.linear.scatter [tilespmem:s31], [sflag:$0x4], $0x80, $0x38;
	[tilespmem:$0x9D00] =	vst v63  }
0x1bb: {  	s29 =	sadd.s32 $0x60, s1;
	s31 =	simm.s32 $0x7E30  }
0x1bc: {  	[hbm4b:s29+s3] =	stream.linear.scatter [tilespmem:s31], [sflag:$0x4], $0x80, $0x38;
	[tilespmem:$0x9D00] =	vst v63  }
0x1bd: {  	s1 =	sadd.s32 $0x70, s1;
	s31 =	simm.s32 $0x7EB8  }
0x1be: {  	[hbm4b:s1+s3] =	stream.linear.scatter [tilespmem:s31], [sflag:$0x4], $0x80, $0x38;
	[tilespmem:$0x9D00] =	vst v63  }
0x1bf: {  	s30 =	simm.s32 $0x7F40;
	s1 =	sadd.s32 s28, s7  }
0x1c0: {  	[hbm4b:s1+s3] =	stream.linear.scatter [tilespmem:s30], [sflag:$0x4], $0x80, $0x38;
	[tilespmem:$0x9D00] =	vst v63  }
0x1c1: {  	s31 =	simm.s32 $0x7FC8;
	s29 =	sadd.s32 $0x10, s1  }
0x1c2: {  	[hbm4b:s29+s3] =	stream.linear.scatter [tilespmem:s31], [sflag:$0x4], $0x80, $0x38;
	[tilespmem:$0x9D00] =	vst v63  }
0x1c3: {  	s29 =	sadd.s32 $0x20, s1;
	s31 =	simm.s32 $0x8050  }
0x1c4: {  	[hbm4b:s29+s3] =	stream.linear.scatter [tilespmem:s31], [sflag:$0x4], $0x80, $0x38;
	[tilespmem:$0x9D00] =	vst v63  }
0x1c5: {  	s29 =	sadd.s32 $0x30, s1;
	s31 =	simm.s32 $0x80D8  }
0x1c6: {  	[hbm4b:s29+s3] =	stream.linear.scatter [tilespmem:s31], [sflag:$0x4], $0x80, $0x38;
	[tilespmem:$0x9D00] =	vst v63  }
0x1c7: {  	s29 =	sadd.s32 $0x40, s1;
	s31 =	simm.s32 $0x8160  }
0x1c8: {  	[hbm4b:s29+s3] =	stream.linear.scatter [tilespmem:s31], [sflag:$0x4], $0x80, $0x38;
	[tilespmem:$0x9D00] =	vst v63  }
0x1c9: {  	s29 =	sadd.s32 $0x50, s1;
	s31 =	simm.s32 $0x81E8  }
0x1ca: {  	[hbm4b:s29+s3] =	stream.linear.scatter [tilespmem:s31], [sflag:$0x4], $0x80, $0x38;
	[tilespmem:$0x9D00] =	vst v63  }
0x1cb: {  	s29 =	sadd.s32 $0x60, s1;
	s31 =	simm.s32 $0x8270  }
0x1cc: {  	[hbm4b:s29+s3] =	stream.linear.scatter [tilespmem:s31], [sflag:$0x4], $0x80, $0x38;
	[tilespmem:$0x9D00] =	vst v63  }
0x1cd: {  	s1 =	sadd.s32 $0x70, s1;
	s31 =	simm.s32 $0x82F8  }
0x1ce: {  	[hbm4b:s1+s3] =	stream.linear.scatter [tilespmem:s31], [sflag:$0x4], $0x80, $0x38;
	[tilespmem:$0x9D00] =	vst v63  }
0x1cf: {  	s30 =	simm.s32 $0x8380;
	s1 =	sadd.s32 s28, s8  }
0x1d0: {  	[hbm4b:s1+s3] =	stream.linear.scatter [tilespmem:s30], [sflag:$0x4], $0x80, $0x38;
	[tilespmem:$0x9D00] =	vst v63  }
0x1d1: {  	s31 =	simm.s32 $0x8408;
	s29 =	sadd.s32 $0x10, s1  }
0x1d2: {  	[hbm4b:s29+s3] =	stream.linear.scatter [tilespmem:s31], [sflag:$0x4], $0x80, $0x38;
	[tilespmem:$0x9D00] =	vst v63  }
0x1d3: {  	s29 =	sadd.s32 $0x20, s1;
	s31 =	simm.s32 $0x8490  }
0x1d4: {  	[hbm4b:s29+s3] =	stream.linear.scatter [tilespmem:s31], [sflag:$0x4], $0x80, $0x38;
	[tilespmem:$0x9D00] =	vst v63  }
0x1d5: {  	s29 =	sadd.s32 $0x30, s1;
	s31 =	simm.s32 $0x8518  }
0x1d6: {  	[hbm4b:s29+s3] =	stream.linear.scatter [tilespmem:s31], [sflag:$0x4], $0x80, $0x38;
	[tilespmem:$0x9D00] =	vst v63  }
0x1d7: {  	s29 =	sadd.s32 $0x40, s1;
	s31 =	simm.s32 $0x85A0  }
0x1d8: {  	[hbm4b:s29+s3] =	stream.linear.scatter [tilespmem:s31], [sflag:$0x4], $0x80, $0x38;
	[tilespmem:$0x9D00] =	vst v63  }
0x1d9: {  	s29 =	sadd.s32 $0x50, s1;
	s31 =	simm.s32 $0x8628  }
0x1da: {  	[hbm4b:s29+s3] =	stream.linear.scatter [tilespmem:s31], [sflag:$0x4], $0x80, $0x38;
	[tilespmem:$0x9D00] =	vst v63  }
0x1db: {  	s29 =	sadd.s32 $0x60, s1;
	s31 =	simm.s32 $0x86B0  }
0x1dc: {  	[hbm4b:s29+s3] =	stream.linear.scatter [tilespmem:s31], [sflag:$0x4], $0x80, $0x38;
	[tilespmem:$0x9D00] =	vst v63  }
0x1dd: {  	s1 =	sadd.s32 $0x70, s1;
	s31 =	simm.s32 $0x8738  }
0x1de: {  	[hbm4b:s1+s3] =	stream.linear.scatter [tilespmem:s31], [sflag:$0x4], $0x80, $0x38;
	[tilespmem:$0x9D00] =	vst v63  }
0x1df: {  	s30 =	simm.s32 $0x87C0;
	s1 =	sadd.s32 s28, s9  }
0x1e0: {  	[hbm4b:s1+s3] =	stream.linear.scatter [tilespmem:s30], [sflag:$0x4], $0x80, $0x38;
	[tilespmem:$0x9D00] =	vst v63  }
0x1e1: {  	s31 =	simm.s32 $0x8848;
	s29 =	sadd.s32 $0x10, s1  }
0x1e2: {  	[hbm4b:s29+s3] =	stream.linear.scatter [tilespmem:s31], [sflag:$0x4], $0x80, $0x38;
	[tilespmem:$0x9D00] =	vst v63  }
0x1e3: {  	s29 =	sadd.s32 $0x20, s1;
	s31 =	simm.s32 $0x88D0  }
0x1e4: {  	[hbm4b:s29+s3] =	stream.linear.scatter [tilespmem:s31], [sflag:$0x4], $0x80, $0x38;
	[tilespmem:$0x9D00] =	vst v63  }
0x1e5: {  	s29 =	sadd.s32 $0x30, s1;
	s31 =	simm.s32 $0x8958  }
0x1e6: {  	[hbm4b:s29+s3] =	stream.linear.scatter [tilespmem:s31], [sflag:$0x4], $0x80, $0x38;
	[tilespmem:$0x9D00] =	vst v63  }
0x1e7: {  	s29 =	sadd.s32 $0x40, s1;
	s31 =	simm.s32 $0x89E0  }
0x1e8: {  	[hbm4b:s29+s3] =	stream.linear.scatter [tilespmem:s31], [sflag:$0x4], $0x80, $0x38;
	[tilespmem:$0x9D00] =	vst v63  }
0x1e9: {  	s29 =	sadd.s32 $0x50, s1;
	s31 =	simm.s32 $0x8A68  }
0x1ea: {  	[hbm4b:s29+s3] =	stream.linear.scatter [tilespmem:s31], [sflag:$0x4], $0x80, $0x38;
	[tilespmem:$0x9D00] =	vst v63  }
0x1eb: {  	s29 =	sadd.s32 $0x60, s1;
	s31 =	simm.s32 $0x8AF0  }
0x1ec: {  	[hbm4b:s29+s3] =	stream.linear.scatter [tilespmem:s31], [sflag:$0x4], $0x80, $0x38;
	[tilespmem:$0x9D00] =	vst v63  }
0x1ed: {  	s1 =	sadd.s32 $0x70, s1;
	s31 =	simm.s32 $0x8B78  }
0x1ee: {  	[hbm4b:s1+s3] =	stream.linear.scatter [tilespmem:s31], [sflag:$0x4], $0x80, $0x38;
	[tilespmem:$0x9D00] =	vst v63  }
0x1ef: {  	s30 =	simm.s32 $0x8C00;
	s1 =	sadd.s32 s28, s10  }
0x1f0: {  	[hbm4b:s1+s3] =	stream.linear.scatter [tilespmem:s30], [sflag:$0x4], $0x80, $0x38;
	[tilespmem:$0x9D00] =	vst v63  }
0x1f1: {  	s31 =	simm.s32 $0x8C88;
	s29 =	sadd.s32 $0x10, s1  }
0x1f2: {  	[hbm4b:s29+s3] =	stream.linear.scatter [tilespmem:s31], [sflag:$0x4], $0x80, $0x38;
	[tilespmem:$0x9D00] =	vst v63  }
0x1f3: {  	s29 =	sadd.s32 $0x20, s1;
	s31 =	simm.s32 $0x8D10  }
0x1f4: {  	[hbm4b:s29+s3] =	stream.linear.scatter [tilespmem:s31], [sflag:$0x4], $0x80, $0x38;
	[tilespmem:$0x9D00] =	vst v63  }
0x1f5: {  	s29 =	sadd.s32 $0x30, s1;
	s31 =	simm.s32 $0x8D98  }
0x1f6: {  	[hbm4b:s29+s3] =	stream.linear.scatter [tilespmem:s31], [sflag:$0x4], $0x80, $0x38;
	[tilespmem:$0x9D00] =	vst v63  }
0x1f7: {  	s29 =	sadd.s32 $0x40, s1;
	s31 =	simm.s32 $0x8E20  }
0x1f8: {  	[hbm4b:s29+s3] =	stream.linear.scatter [tilespmem:s31], [sflag:$0x4], $0x80, $0x38;
	[tilespmem:$0x9D00] =	vst v63  }
0x1f9: {  	s29 =	sadd.s32 $0x50, s1;
	s31 =	simm.s32 $0x8EA8  }
0x1fa: {  	[hbm4b:s29+s3] =	stream.linear.scatter [tilespmem:s31], [sflag:$0x4], $0x80, $0x38;
	[tilespmem:$0x9D00] =	vst v63  }
0x1fb: {  	s29 =	sadd.s32 $0x60, s1;
	s31 =	simm.s32 $0x8F30  }
0x1fc: {  	[hbm4b:s29+s3] =	stream.linear.scatter [tilespmem:s31], [sflag:$0x4], $0x80, $0x38;
	[tilespmem:$0x9D00] =	vst v63  }
0x1fd: {  	s1 =	sadd.s32 $0x70, s1;
	s31 =	simm.s32 $0x8FB8  }
0x1fe: {  	[hbm4b:s1+s3] =	stream.linear.scatter [tilespmem:s31], [sflag:$0x4], $0x80, $0x38;
	[tilespmem:$0x9D00] =	vst v63  }
0x1ff: {  	s30 =	simm.s32 $0x9040;
	s1 =	sadd.s32 s28, s11  }
0x200: {  	[hbm4b:s1+s3] =	stream.linear.scatter [tilespmem:s30], [sflag:$0x4], $0x80, $0x38;
	[tilespmem:$0x9D00] =	vst v63  }
0x201: {  	s31 =	simm.s32 $0x90C8;
	s29 =	sadd.s32 $0x10, s1  }
0x202: {  	[hbm4b:s29+s3] =	stream.linear.scatter [tilespmem:s31], [sflag:$0x4], $0x80, $0x38;
	[tilespmem:$0x9D00] =	vst v63  }
0x203: {  	s29 =	sadd.s32 $0x20, s1;
	s31 =	simm.s32 $0x9150  }
0x204: {  	[hbm4b:s29+s3] =	stream.linear.scatter [tilespmem:s31], [sflag:$0x4], $0x80, $0x38;
	[tilespmem:$0x9D00] =	vst v63  }
0x205: {  	s29 =	sadd.s32 $0x30, s1;
	s31 =	simm.s32 $0x91D8  }
0x206: {  	[hbm4b:s29+s3] =	stream.linear.scatter [tilespmem:s31], [sflag:$0x4], $0x80, $0x38;
	[tilespmem:$0x9D00] =	vst v63  }
0x207: {  	s29 =	sadd.s32 $0x40, s1;
	s31 =	simm.s32 $0x9260  }
0x208: {  	[hbm4b:s29+s3] =	stream.linear.scatter [tilespmem:s31], [sflag:$0x4], $0x80, $0x38;
	[tilespmem:$0x9D00] =	vst v63  }
0x209: {  	s29 =	sadd.s32 $0x50, s1;
	s31 =	simm.s32 $0x92E8  }
0x20a: {  	[hbm4b:s29+s3] =	stream.linear.scatter [tilespmem:s31], [sflag:$0x4], $0x80, $0x38;
	[tilespmem:$0x9D00] =	vst v63  }
0x20b: {  	s29 =	sadd.s32 $0x60, s1;
	s31 =	simm.s32 $0x9370  }
0x20c: {  	[hbm4b:s29+s3] =	stream.linear.scatter [tilespmem:s31], [sflag:$0x4], $0x80, $0x38;
	[tilespmem:$0x9D00] =	vst v63  }
0x20d: {  	s1 =	sadd.s32 $0x70, s1;
	s31 =	simm.s32 $0x93F8  }
0x20e: {  	[hbm4b:s1+s3] =	stream.linear.scatter [tilespmem:s31], [sflag:$0x4], $0x80, $0x38;
	[tilespmem:$0x9D00] =	vst v63  }
0x20f: {  	s30 =	simm.s32 $0x9480;
	s1 =	sadd.s32 s28, s12  }
0x210: {  	[hbm4b:s1+s3] =	stream.linear.scatter [tilespmem:s30], [sflag:$0x4], $0x80, $0x38;
	[tilespmem:$0x9D00] =	vst v63  }
0x211: {  	s31 =	simm.s32 $0x9508;
	s29 =	sadd.s32 $0x10, s1  }
0x212: {  	[hbm4b:s29+s3] =	stream.linear.scatter [tilespmem:s31], [sflag:$0x4], $0x80, $0x38;
	[tilespmem:$0x9D00] =	vst v63  }
0x213: {  	s29 =	sadd.s32 $0x20, s1;
	s31 =	simm.s32 $0x9590  }
0x214: {  	[hbm4b:s29+s3] =	stream.linear.scatter [tilespmem:s31], [sflag:$0x4], $0x80, $0x38;
	[tilespmem:$0x9D00] =	vst v63  }
0x215: {  	s29 =	sadd.s32 $0x30, s1;
	s31 =	simm.s32 $0x9618  }
0x216: {  	[hbm4b:s29+s3] =	stream.linear.scatter [tilespmem:s31], [sflag:$0x4], $0x80, $0x38;
	[tilespmem:$0x9D00] =	vst v63  }
0x217: {  	s29 =	sadd.s32 $0x40, s1;
	s31 =	simm.s32 $0x96A0  }
0x218: {  	[hbm4b:s29+s3] =	stream.linear.scatter [tilespmem:s31], [sflag:$0x4], $0x80, $0x38;
	[tilespmem:$0x9D00] =	vst v63  }
0x219: {  	s29 =	sadd.s32 $0x50, s1;
	s31 =	simm.s32 $0x9728  }
0x21a: {  	[hbm4b:s29+s3] =	stream.linear.scatter [tilespmem:s31], [sflag:$0x4], $0x80, $0x38;
	[tilespmem:$0x9D00] =	vst v63  }
0x21b: {  	s29 =	sadd.s32 $0x60, s1;
	s31 =	simm.s32 $0x97B0  }
0x21c: {  	[hbm4b:s29+s3] =	stream.linear.scatter [tilespmem:s31], [sflag:$0x4], $0x80, $0x38;
	[tilespmem:$0x9D00] =	vst v63  }
0x21d: {  	s1 =	sadd.s32 $0x70, s1;
	s31 =	simm.s32 $0x9838  }
0x21e: {  	[hbm4b:s1+s3] =	stream.linear.scatter [tilespmem:s31], [sflag:$0x4], $0x80, $0x38;
	[tilespmem:$0x9D00] =	vst v63  }
0x21f: {  	s1 =	sadd.s32 s28, s13  }
0x220: {  	[hbm4b:s1+s3] =	stream.linear.scatter [tilespmem:s0], [sflag:$0x4], $0x80, $0x38;
	[tilespmem:$0x9D00] =	vst v63  }
0x221: {  	s28 =	sadd.s32 $0x10, s1  }
0x222: {  	[hbm4b:s28+s3] =	stream.linear.scatter [tilespmem:s17], [sflag:$0x4], $0x80, $0x38;
	[tilespmem:$0x9D00] =	vst v63  }
0x223: {  	s30 =	sadd.s32 $0x20, s1  }
0x224: {  	[hbm4b:s30+s3] =	stream.linear.scatter [tilespmem:s18], [sflag:$0x4], $0x80, $0x38;
	[tilespmem:$0x9D00] =	vst v63  }
0x225: {  	s31 =	sadd.s32 $0x30, s1  }
0x226: {  	[hbm4b:s31+s3] =	stream.linear.scatter [tilespmem:s21], [sflag:$0x4], $0x80, $0x38;
	[tilespmem:$0x9D00] =	vst v63  }
0x227: {  	s26 =	sadd.s32 $0x1, s26;
	s29 =	sadd.s32 $0x40, s1  }
0x228: {  	[hbm4b:s29+s3] =	stream.linear.scatter [tilespmem:s22], [sflag:$0x4], $0x80, $0x38;
	[tilespmem:$0x9D00] =	vst v63  }
0x229: {  	p0 =	sne.s32 s26, $0x19;
	s30 =	sadd.s32 $0x50, s1  }
0x22a: {  	[hbm4b:s30+s3] =	stream.linear.scatter [tilespmem:s23], [sflag:$0x4], $0x80, $0x38;
	[tilespmem:$0x9D00] =	vst v63  }
.Ltmp5:
0x22b: {  	_ = 	snop;
	(pc) =	sbr.rel @p0 .LBB2_2-.Ltmp5, $4  }
0x22c: {  	s31 =	sadd.s32 $0x60, s1  }
0x22d: {  	[hbm4b:s31+s3] =	stream.linear.scatter [tilespmem:s24], [sflag:$0x4], $0x80, $0x38;
	[tilespmem:$0x9D00] =	vst v63  }
0x22e: {  	s1 =	sadd.s32 $0x70, s1  }
0x22f: {  	[hbm4b:s1+s3] =	stream.linear.scatter [tilespmem:s25], [sflag:$0x4], $0x80, $0x38;
	[tilespmem:$0x9D00] =	vst v63  }
0x230: {  	s1 =	simm.s32 $0x3  }
0x231: {  	_ =	swait.ge [sflag:s1], $0x400  }
0x232: {  	[sflag:s1] =	ssyncset.done $0x0  }
0x233: {  	[sflag:s1] =	ssyncadd.s32 $0xFFFFFC00  }
0x234: {  	_ =	swait.ge [sflag:s1], $0x400  }
0x235: {  	[sflag:s1] =	ssyncset.done $0x0  }
0x236: {  	[sflag:s1] =	ssyncadd.s32 $0xFFFFFC00  }
0x237: {  	_ =	swait.ge [sflag:s1], $0x400  }
0x238: {  	[sflag:s1] =	ssyncset.done $0x0  }
0x239: {  	[sflag:s1] =	ssyncadd.s32 $0xFFFFFC00  }
0x23a: {  	_ =	swait.ge [sflag:s1], $0x400  }
0x23b: {  	[sflag:s1] =	ssyncset.done $0x0  }
0x23c: {  	[sflag:s1] =	ssyncadd.s32 $0xFFFFFC00  }
0x23d: {  	_ =	swait.ge [sflag:s1], $0x400  }
0x23e: {  	[sflag:s1] =	ssyncset.done $0x0  }
0x23f: {  	[sflag:s1] =	ssyncadd.s32 $0xFFFFFC00  }
0x240: {  	_ =	swait.ge [sflag:s1], $0x400  }
0x241: {  	[sflag:s1] =	ssyncset.done $0x0  }
0x242: {  	[sflag:s1] =	ssyncadd.s32 $0xFFFFFC00  }
0x243: {  	_ =	swait.ge [sflag:s1], $0x400  }
0x244: {  	[sflag:s1] =	ssyncset.done $0x0  }
0x245: {  	[sflag:s1] =	ssyncadd.s32 $0xFFFFFC00  }
0x246: {  	_ =	swait.ge [sflag:s1], $0x400  }
0x247: {  	[sflag:s1] =	ssyncset.done $0x0  }
0x248: {  	[sflag:s1] =	ssyncadd.s32 $0xFFFFFC00  }
0x249: {  	_ =	swait.ge [sflag:s14], $0x400  }
0x24a: {  	[sflag:s14] =	ssyncset.done $0x0  }
0x24b: {  	[sflag:s14] =	ssyncadd.s32 $0xFFFFFC00  }
0x24c: {  	_ =	swait.ge [sflag:s14], $0x400  }
0x24d: {  	[sflag:s14] =	ssyncset.done $0x0  }
0x24e: {  	[sflag:s14] =	ssyncadd.s32 $0xFFFFFC00  }
0x24f: {  	_ =	swait.ge [sflag:s14], $0x400  }
0x250: {  	[sflag:s14] =	ssyncset.done $0x0  }
0x251: {  	[sflag:s14] =	ssyncadd.s32 $0xFFFFFC00  }
0x252: {  	_ =	swait.ge [sflag:s14], $0x400  }
0x253: {  	[sflag:s14] =	ssyncset.done $0x0  }
0x254: {  	[sflag:s14] =	ssyncadd.s32 $0xFFFFFC00  }
0x255: {  	_ =	swait.ge [sflag:s14], $0x400  }
0x256: {  	[sflag:s14] =	ssyncset.done $0x0  }
0x257: {  	[sflag:s14] =	ssyncadd.s32 $0xFFFFFC00  }
0x258: {  	_ =	swait.ge [sflag:s14], $0x400  }
0x259: {  	[sflag:s14] =	ssyncset.done $0x0  }
0x25a: {  	[sflag:s14] =	ssyncadd.s32 $0xFFFFFC00  }
0x25b: {  	_ =	swait.ge [sflag:s14], $0x400  }
0x25c: {  	[sflag:s14] =	ssyncset.done $0x0  }
0x25d: {  	[sflag:s14] =	ssyncadd.s32 $0xFFFFFC00  }
0x25e: {  	_ =	swait.ge [sflag:s14], $0x400  }
0x25f: {  	s26 =	rddreg [dreg:$0x5]  }
0x260: {  	s31 =	rddreg [dreg:$0x4];
	s26 =	sadd.s32 $0x1, s26  }
0x261: {  	p0 =	sne.s32 s26, s31  }
.Ltmp6:
0x262: {  	_ = 	snop;
	(pc) =	sbr.rel @p0 .LBB2_1-.Ltmp6, $3  }
0x263: {  	_ =	sdelay $0x1  }
0x264: {  	[sflag:s14] =	ssyncset.done $0x0  }
0x265: {  	[sflag:s14] =	ssyncadd.s32 $0xFFFFFC00  }
0x266: {  	_ =	sfence.sel $0x180000  }
0x267: {  	[bflag:$0x0] =	sbarrier.arrive $0xFFFF  }
0x268: {  	_ =	strace $0x90000047  }
0x269: {  	s0 =	stileid.u32;
	[bflag:$0x2] =	sbarrier.arrive $0xFFFF  }
0x26a: {  	p0 =	sne.s32 s0, $0x0;
	s0 =	rddreg [dreg:$0x2]  }
0x26b: {  	s0 =	sadd.s32 @!p0 $0x100000, s0  }
0x26c: {  	[sflag:s0] =	ssyncadd.tile.s32 @!p0 $0x1;
	_ =	shalt  }
.Lfunc_end2:
_tile_overlayer_lowered:
.L_overlay_start_2:
0x26d: {  	(tag) =	ssettag $0x2  }
0x26e: {  	s0 =	rddreg [dreg:$0x0];
	s2 =	stileid.u32  }
0x26f: {  	s1 =	rddreg [dreg:$0x1];
	p0 =	sne.s32 s2, $0x0  }
0x270: {  	s3 =	rddreg [dreg:$0x2];
	[bflag:$0x3] =	sbarrier.arrive $0xFFFF;
	s2 =	simm.s32 @!p0 $0x1C05  }
0x271: {  	[timem:s3], [sflag:s2] =	dma.local @!p0 [hbm:s0], s1  }
0x272: {  	s0 =	simm.s32 @!p0 $0x5  }
0x273: {  	_ =	swait.ge @!p0 [sflag:s0], s1  }
0x274: {  	s1 =	ssub.s32 @!p0 $0x0, s1;
	[sflag:s0] =	ssyncset.done @!p0 $0x0  }
0x275: {  	[sflag:s0] =	ssyncadd.s32 @!p0 s1  }
0x276: {  	[bflag:$0x3] =	sbarrier.arrive $0xFFFF  }
0x277: {  	_ =	shalt  }

</sc_bundles>
